<compile_context>
chip_gen: v7x
topology: tpu7x:2x2x1
jax: 0.10.2.dev20260603
libtpu: 0.0.44.dev20260713+nightly
codegen_flags: <defaults>
</compile_context>

<pallas_src>
import functools

import jax
import jax.numpy as jnp
from jax import lax
from jax.experimental import pallas as pl
from jax.experimental.pallas import tpu as pltpu
from jax.experimental.pallas import tpu_sc as plsc

B = 4096
D = 512
NCLS = 32
BLK = 512
NBLK = B // BLK
BIG = 1048576
MARGIN = 0.3
EPS = 1e-6
LANES = 16
NCHUNK = B // LANES


_DOT = functools.partial(
    jax.lax.dot_general,
    precision=jax.lax.Precision.HIGHEST,
    preferred_element_type=jnp.float32,
)
_DOT_LP = functools.partial(
    jax.lax.dot_general,
    precision=jax.lax.Precision.DEFAULT,
    preferred_element_type=jnp.float32,
)
CDIMS = (((1,), (1,)), ((), ()))


def _sc_tables_kernel(labels_hbm, feat_hbm, w_hbm, stats_hbm,
                      labels_v, idx_v, rows_v, stats_v, sem, wsem):
    cls = lax.axis_index("s") * 2 + lax.axis_index("c")
    pltpu.sync_copy(labels_hbm, labels_v)

    lane = lax.broadcasted_iota(jnp.int32, (LANES,), 0)
    big = jnp.full((LANES,), BIG, jnp.int32)

    UNROLL = 8

    def body(k, carry):
        min1, min2, fd, cnt = carry
        base = k * (LANES * UNROLL)
        for j in range(UNROLL):
            lab = labels_v[pl.ds(base + j * LANES, LANES)]
            m = lab == cls
            idx = lane + (base + j * LANES)
            cand = jnp.where(m, idx, BIG)
            nmin1 = jnp.minimum(min1, cand)
            min2 = jnp.minimum(min2, jnp.maximum(min1, cand))
            min1 = nmin1
            fd = jnp.minimum(fd, jnp.where(m, BIG, idx))
            cnt = cnt + jnp.where(m, 1, 0)
        return min1, min2, fd, cnt

    min1, min2, fd, cnt = lax.fori_loop(
        0, NCHUNK // UNROLL, body,
        (big, big, big, jnp.zeros((LANES,), jnp.int32)))

    min1f = min1.astype(jnp.float32)
    min2f = min2.astype(jnp.float32)
    first_s = jnp.min(min1f)
    second_s = jnp.min(jnp.where(min1f == first_s, min2f, min1f))
    fd_s = jnp.min(fd.astype(jnp.float32))
    cnt_s = jnp.sum(cnt.astype(jnp.float32))

    i1 = jnp.minimum(first_s, B - 1.0).astype(jnp.int32)
    i2 = jnp.minimum(second_s, B - 1.0).astype(jnp.int32)
    i3 = jnp.minimum(fd_s, B - 1.0).astype(jnp.int32)
    idx_v[...] = jnp.where(lane == 0, i1,
                           jnp.where(lane == 1, i2,
                                     jnp.where(lane == 2, i3, 0)))
    pltpu.async_copy(feat_hbm.at[idx_v.at[pl.ds(0, 8)]], rows_v, sem).wait()

    w1 = pltpu.async_copy(rows_v.at[0], w_hbm.at[cls], wsem)
    w2 = pltpu.async_copy(rows_v.at[1], w_hbm.at[NCLS + cls], wsem)
    w3 = pltpu.async_copy(rows_v.at[2], w_hbm.at[2 * NCLS + cls], wsem)

    ts = []
    for j in range(3):
        acc = jnp.zeros((LANES,), jnp.float32)
        for i in range(D // LANES):
            x = rows_v[j, pl.ds(i * LANES, LANES)]
            acc = acc + x * (x - 2.0 * EPS)
        ts.append(jnp.sum(acc))

    head = jnp.where(
        lane == 0, first_s,
        jnp.where(lane == 1, second_s,
                  jnp.where(lane == 2, cnt_s,
                            jnp.where(lane == 3, fd_s,
                                      jnp.where(lane == 4, ts[0],
                                                jnp.where(lane == 5, ts[1],
                                                          jnp.where(
                                                              lane == 6,
                                                              ts[2],
                                                              0.0)))))))
    stats_v[pl.ds(0, LANES)] = head
    zeros = jnp.zeros((LANES,), jnp.float32)
    for i in range(1, 128 // LANES):
        stats_v[pl.ds(i * LANES, LANES)] = zeros
    pltpu.sync_copy(stats_v, stats_hbm.at[cls])
    w1.wait()
    w2.wait()
    w3.wait()


@functools.cache
def _sc_tables():
    return pl.kernel(
        _sc_tables_kernel,
        out_type=[
            jax.ShapeDtypeStruct((3 * NCLS, D), jnp.float32),
            jax.ShapeDtypeStruct((NCLS, 128), jnp.float32),
        ],
        mesh=plsc.VectorSubcoreMesh(
            core_axis_name="c", subcore_axis_name="s", num_cores=2,
            num_subcores=16),
        compiler_params=pltpu.CompilerParams(needs_layout_passes=False),
        scratch_types=[
            pltpu.VMEM((B,), jnp.int32),
            pltpu.VMEM((LANES,), jnp.int32),
            pltpu.VMEM((8, D), jnp.float32),
            pltpu.VMEM((128,), jnp.float32),
            pltpu.SemaphoreType.DMA,
            pltpu.SemaphoreType.DMA,
        ],
    )


def _loss_kernel(labels_ref, feat_ref, w_ref, tbl_ref, scal_ref,
                 out_ref, acc_ref):
    k = pl.program_id(0)

    @pl.when(k == 0)
    def _init():
        acc_ref[0] = 0.0
        acc_ref[1] = 0.0

    lab = labels_ref[0:1, pl.ds(k * BLK, BLK)].astype(jnp.float32)
    cls = lax.broadcasted_iota(jnp.int32, (NCLS, 1), 0).astype(jnp.float32)
    onehot = (lab == cls).astype(jnp.float32)

    first = tbl_ref[:, 0:1]
    cnt = tbl_ref[:, 2:3]
    t1 = tbl_ref[:, 4:5]
    t2 = tbl_ref[:, 5:6]
    tn = tbl_ref[:, 6:7]
    gidx = (lax.broadcasted_iota(jnp.int32, (1, BLK), 1).astype(jnp.float32)
            + (k * BLK))
    isfirst = (first == gidx).astype(jnp.float32)
    m2 = onehot * isfirst
    m1 = onehot - m2

    feat = feat_ref[...]
    g = _DOT_LP(w_ref[...], feat, CDIMS)
    g1 = g[0:NCLS, :]
    g2 = g[NCLS:2 * NCLS, :]
    gn = g[2 * NCLS:3 * NCLS, :]
    ones_row = jnp.ones((1, D), jnp.float32)
    base = _DOT_LP(ones_row, feat * feat, CDIMS) + D * EPS * EPS

    ap_t = jnp.sum(m1 * (t1 - 2.0 * g1) + m2 * (t2 - 2.0 * g2),
                   axis=0, keepdims=True)
    an_t = jnp.sum(onehot * (tn - 2.0 * gn), axis=0, keepdims=True)
    dap = jnp.sqrt(jnp.maximum(base + ap_t, 0.0))
    dan = jnp.sqrt(jnp.maximum(base + an_t, 0.0))
    diff = (ap_t - an_t) / jnp.maximum(dap + dan, 1e-20)
    per_anchor = jnp.maximum(diff + MARGIN, 0.0)

    classvalid = jnp.logical_and(cnt >= 2.0, cnt < float(B))
    classvalid = classvalid.astype(jnp.float32)
    vrow = jnp.sum(onehot * classvalid, axis=0, keepdims=True)

    acc_ref[0] += jnp.sum(per_anchor * vrow)
    acc_ref[1] += jnp.sum(vrow)

    @pl.when(k == NBLK - 1)
    def _fin():
        trip = acc_ref[0] / jnp.maximum(acc_ref[1], 1.0)
        dl = scal_ref[0]
        sl = scal_ref[1]
        ql = scal_ref[2]
        total = 0.5 * dl + 0.1 * sl + 0.2 * ql + 0.2 * trip
        lidx = lax.broadcasted_iota(jnp.int32, (1, 5), 1)
        row = jnp.where(
            lidx == 0, total,
            jnp.where(lidx == 1, dl,
                      jnp.where(lidx == 2, sl,
                                jnp.where(lidx == 3, ql,
                                          jnp.where(lidx == 4, trip, 0.0)))))
        out_ref[...] = row


def _triplet(output_features, labels, scalars):
    feat_spec = pl.BlockSpec((BLK, D), lambda k: (k, 0))
    full = lambda s: pl.BlockSpec(s, lambda k: tuple(0 for _ in s))

    w, tbl = _sc_tables()(labels.astype(jnp.int32), output_features)

    labels2d = labels.reshape(1, B).astype(jnp.int32)
    out = pl.pallas_call(
        _loss_kernel,
        grid=(NBLK,),
        in_specs=[full((1, B)), feat_spec, full((3 * NCLS, D)),
                  full((NCLS, 128)),
                  pl.BlockSpec(memory_space=pltpu.SMEM)],
        out_specs=full((1, 5)),
        out_shape=jax.ShapeDtypeStruct((1, 5), jnp.float32),
        scratch_shapes=[pltpu.SMEM((2,), jnp.float32)],
    )(labels2d, output_features, w, tbl, scalars)
    return out


@jax.jit
def kernel(output_features, distill_loss, sparsity_loss, quant_loss, labels):
    scalars = jnp.stack([distill_loss, sparsity_loss, quant_loss])
    out = _triplet(output_features, labels, scalars)
    return out.reshape(5)

# --- scband reference (transcript-rebuilt; emitter-appended) ---
"""Pipeline reference for scband-sparseloss-14001593385714 (READ-ONLY COPY).

The authoritative reference and input builder live on the scoring server;
editing this copy changes nothing except your own understanding.
"""

import jax, jax.numpy as jnp
import numpy as np


def setup_inputs(seed: int = 0) -> dict:
    key = jax.random.key(seed)
    k1, k2, k3, k4, k5 = jax.random.split(key, 5)
    B, D = 4096, 512
    return {
        "output_features": jax.random.normal(k1, (B, D), dtype=jnp.float32),
        "distill_loss": jax.random.uniform(k2, (), dtype=jnp.float32),
        "sparsity_loss": jax.random.uniform(k3, (), dtype=jnp.float32),
        "quant_loss": jax.random.uniform(k4, (), dtype=jnp.float32),
        "labels": jax.random.randint(k5, (B,), 0, 32, dtype=jnp.int32),
    }


def reference(output_features, distill_loss, sparsity_loss, quant_loss, labels):
    # Faithful translation of SPARSELoss.forward with labels provided.
    # Torch version samples a random positive/negative per anchor; here the
    # sampling is made deterministic (first valid positive / first negative),
    # keeping the same math: TripletMarginLoss(margin=0.3, p=2, eps=1e-6)
    # averaged over anchors that have at least one positive and one negative.
    margin = 0.3
    eps = 1e-6
    distill_weight, sparsity_weight, quant_weight, triplet_weight = 0.5, 0.1, 0.2, 0.2
    B = output_features.shape[0]
    eq = labels[:, None] == labels[None, :]
    eye = jnp.eye(B, dtype=bool)
    pos_mask = eq & (~eye)
    neg_mask = ~eq
    has_pos = pos_mask.any(axis=1)
    has_neg = neg_mask.any(axis=1)
    pos_idx = jnp.argmax(pos_mask, axis=1)  # first positive index (gather)
    neg_idx = jnp.argmax(neg_mask, axis=1)  # first negative index (gather)
    anchor = output_features
    positive = jnp.take(output_features, pos_idx, axis=0)
    negative = jnp.take(output_features, neg_idx, axis=0)
    # torch.pairwise_distance adds eps to the difference before the norm
    d_ap = jnp.sqrt(jnp.sum((anchor - positive + eps) ** 2, axis=1))
    d_an = jnp.sqrt(jnp.sum((anchor - negative + eps) ** 2, axis=1))
    per_anchor = jnp.maximum(d_ap - d_an + margin, 0.0)
    valid = (has_pos & has_neg).astype(jnp.float32)
    count = jnp.maximum(valid.sum(), 1.0)
    triplet = jnp.sum(per_anchor * valid) / count
    total = (distill_weight * distill_loss + sparsity_weight * sparsity_loss
             + quant_weight * quant_loss + triplet_weight * triplet)
    return jnp.stack([total, distill_loss, sparsity_loss, quant_loss, triplet])

if __name__ == "__main__":
    import jax
    _d = setup_inputs()
    print(jax.jit(kernel)(*tuple(_d.values())))

</pallas_src>

<mosaic_0001>
#map = affine_map<(d0, d1) -> (0)>
#map1 = affine_map<(d0, d1) -> (0, 0)>
module attributes {stable_mosaic.version = 14 : i64} {
  func.func @_sc_tables_kernel(%arg0: i32, %arg1: i32, %arg2: memref<4096xi32, #tpu.memory_space<hbm>>, %arg3: memref<4096x512xf32, #tpu.memory_space<hbm>>, %arg4: memref<96x512xf32, #tpu.memory_space<hbm>>, %arg5: memref<32x128xf32, #tpu.memory_space<hbm>>, %arg6: memref<4096xi32, #tpu.memory_space<vmem>>, %arg7: memref<16xi32, #tpu.memory_space<vmem>>, %arg8: memref<8x512xf32, #tpu.memory_space<vmem>>, %arg9: memref<128xf32, #tpu.memory_space<vmem>>, %arg10: memref<!tpu.dma_semaphore, #tpu.memory_space<semaphore_mem>>, %arg11: memref<!tpu.dma_semaphore, #tpu.memory_space<semaphore_mem>>) attributes {dimension_semantics = [#tpu.dimension_semantics<core_parallel>, #tpu.dimension_semantics<subcore_parallel>], iteration_bounds = array<i64: 2, 16>, scalar_prefetch = 0 : i64, scratch_operands = 6 : i64, tpu.core_type = #tpu.core_type<sc_vector_subcore>, window_params = [{transform_indices = #map}, {transform_indices = #map1}, {transform_indices = #map1}, {transform_indices = #map1}]} {
    %mul3A = arith.constant 2 : i32
    %mul3A_0 = arith.muli %arg1, %mul3A : i32
    %add3A = arith.addi %mul3A_0, %arg0 : i32
    "tpu.region"() ({
      %run_scoped3A = tpu.sem_alloc : memref<!tpu.dma_semaphore, #tpu.memory_space<semaphore_mem>>
      tpu.enqueue_dma source(%arg2 : memref<4096xi32, #tpu.memory_space<hbm>>) target(%arg6 : memref<4096xi32, #tpu.memory_space<vmem>>) target_semaphore(%run_scoped3A : memref<!tpu.dma_semaphore, #tpu.memory_space<semaphore_mem>>)
      tpu.wait_dma2 semaphore(%run_scoped3A : memref<!tpu.dma_semaphore, #tpu.memory_space<semaphore_mem>>) src(%arg2 : memref<4096xi32, #tpu.memory_space<hbm>>) dst(%arg6 : memref<4096xi32, #tpu.memory_space<vmem>>)
      tpu.yield
    }) : () -> ()
    %iota3A = tpu.iota {dimensions = array<i32: 0>} : vector<16xi32>
    %broadcast_in_dim3A = arith.constant 1048576 : i32
    %broadcast_in_dim3A_1 = vector.broadcast %broadcast_in_dim3A : i32 to vector<16xi32>
    %broadcast_in_dim3A_2 = arith.constant 0 : i32
    %broadcast_in_dim3A_3 = vector.broadcast %broadcast_in_dim3A_2 : i32 to vector<16xi32>
    %scan3A = arith.constant 0 : i32
    %scan3A_4 = arith.constant 32 : i32
    %scan3A_5 = arith.addi %scan3A, %scan3A_4 : i32
    %scan3A_6 = arith.constant 1 : i32
    %scan3A_7:4 = scf.for %scan3A_1077 = %scan3A to %scan3A_5 step %scan3A_6 iter_args(%scan3A_1078 = %broadcast_in_dim3A_1, %scan3A_1079 = %broadcast_in_dim3A_1, %scan3A_1080 = %broadcast_in_dim3A_1, %scan3A_1081 = %broadcast_in_dim3A_3) -> (vector<16xi32>, vector<16xi32>, vector<16xi32>, vector<16xi32>)  : i32 {
      %mul3A_1082 = arith.constant 128 : i32
      %mul3A_1083 = arith.muli %scan3A_1077, %mul3A_1082 : i32
      %add3A_1084 = arith.constant 0 : i32
      %add3A_1085 = arith.addi %mul3A_1083, %add3A_1084 : i32
      %get3A_1086 = arith.index_cast %add3A_1085 : i32 to index
      %get3A_1087 = tpu.vector_load %arg6[%get3A_1086] {strides = array<i32>} : memref<4096xi32, #tpu.memory_space<vmem>>, vector<16xi32>,
      %eq3A_1088 = vector.broadcast %add3A : i32 to vector<16xi32>
      %eq3A_1089 = arith.cmpi eq, %get3A_1087, %eq3A_1088 : vector<16xi32>
      %add3A_1090 = arith.constant 0 : i32
      %add3A_1091 = arith.addi %mul3A_1083, %add3A_1090 : i32
      %add3A_1092 = vector.broadcast %add3A_1091 : i32 to vector<16xi32>
      %add3A_1093 = arith.addi %iota3A, %add3A_1092 : vector<16xi32>
      %jit3A_1094 = arith.constant 1048576 : i32
      %broadcast_in_dim3A_1095 = vector.broadcast %jit3A_1094 : i32 to vector<16xi32>
      %select_n3A_1096 = arith.select %eq3A_1089, %add3A_1093, %broadcast_in_dim3A_1095 : vector<16xi1>, vector<16xi32>
      %min3A_1097 = arith.minsi %scan3A_1078, %select_n3A_1096 : vector<16xi32>
      %max3A = arith.maxsi %scan3A_1078, %select_n3A_1096 : vector<16xi32>
      %min3A_1098 = arith.minsi %scan3A_1079, %max3A : vector<16xi32>
      %jit3A_1099 = arith.constant 1048576 : i32
      %broadcast_in_dim3A_1100 = vector.broadcast %jit3A_1099 : i32 to vector<16xi32>
      %select_n3A_1101 = arith.select %eq3A_1089, %broadcast_in_dim3A_1100, %add3A_1093 : vector<16xi1>, vector<16xi32>
      %min3A_1102 = arith.minsi %scan3A_1080, %select_n3A_1101 : vector<16xi32>
      %jit3A_1103 = arith.constant 1 : i32
      %jit3A_1104 = arith.constant 0 : i32
      %broadcast_in_dim3A_1105 = vector.broadcast %jit3A_1103 : i32 to vector<16xi32>
      %broadcast_in_dim3A_1106 = vector.broadcast %jit3A_1104 : i32 to vector<16xi32>
      %select_n3A_1107 = arith.select %eq3A_1089, %broadcast_in_dim3A_1105, %broadcast_in_dim3A_1106 : vector<16xi1>, vector<16xi32>
      %add3A_1108 = arith.addi %scan3A_1081, %select_n3A_1107 : vector<16xi32>
      %add3A_1109 = arith.constant 16 : i32
      %add3A_1110 = arith.addi %mul3A_1083, %add3A_1109 : i32
      %get3A_1111 = arith.index_cast %add3A_1110 : i32 to index
      %get3A_1112 = tpu.vector_load %arg6[%get3A_1111] {strides = array<i32>} : memref<4096xi32, #tpu.memory_space<vmem>>, vector<16xi32>,
      %eq3A_1113 = vector.broadcast %add3A : i32 to vector<16xi32>
      %eq3A_1114 = arith.cmpi eq, %get3A_1112, %eq3A_1113 : vector<16xi32>
      %add3A_1115 = arith.constant 16 : i32
      %add3A_1116 = arith.addi %mul3A_1083, %add3A_1115 : i32
      %add3A_1117 = vector.broadcast %add3A_1116 : i32 to vector<16xi32>
      %add3A_1118 = arith.addi %iota3A, %add3A_1117 : vector<16xi32>
      %jit3A_1119 = arith.constant 1048576 : i32
      %broadcast_in_dim3A_1120 = vector.broadcast %jit3A_1119 : i32 to vector<16xi32>
      %select_n3A_1121 = arith.select %eq3A_1114, %add3A_1118, %broadcast_in_dim3A_1120 : vector<16xi1>, vector<16xi32>
      %min3A_1122 = arith.minsi %min3A_1097, %select_n3A_1121 : vector<16xi32>
      %max3A_1123 = arith.maxsi %min3A_1097, %select_n3A_1121 : vector<16xi32>
      %min3A_1124 = arith.minsi %min3A_1098, %max3A_1123 : vector<16xi32>
      %jit3A_1125 = arith.constant 1048576 : i32
      %broadcast_in_dim3A_1126 = vector.broadcast %jit3A_1125 : i32 to vector<16xi32>
      %select_n3A_1127 = arith.select %eq3A_1114, %broadcast_in_dim3A_1126, %add3A_1118 : vector<16xi1>, vector<16xi32>
      %min3A_1128 = arith.minsi %min3A_1102, %select_n3A_1127 : vector<16xi32>
      %jit3A_1129 = arith.constant 1 : i32
      %jit3A_1130 = arith.constant 0 : i32
      %broadcast_in_dim3A_1131 = vector.broadcast %jit3A_1129 : i32 to vector<16xi32>
      %broadcast_in_dim3A_1132 = vector.broadcast %jit3A_1130 : i32 to vector<16xi32>
      %select_n3A_1133 = arith.select %eq3A_1114, %broadcast_in_dim3A_1131, %broadcast_in_dim3A_1132 : vector<16xi1>, vector<16xi32>
      %add3A_1134 = arith.addi %add3A_1108, %select_n3A_1133 : vector<16xi32>
      %add3A_1135 = arith.constant 32 : i32
      %add3A_1136 = arith.addi %mul3A_1083, %add3A_1135 : i32
      %get3A_1137 = arith.index_cast %add3A_1136 : i32 to index
      %get3A_1138 = tpu.vector_load %arg6[%get3A_1137] {strides = array<i32>} : memref<4096xi32, #tpu.memory_space<vmem>>, vector<16xi32>,
      %eq3A_1139 = vector.broadcast %add3A : i32 to vector<16xi32>
      %eq3A_1140 = arith.cmpi eq, %get3A_1138, %eq3A_1139 : vector<16xi32>
      %add3A_1141 = arith.constant 32 : i32
      %add3A_1142 = arith.addi %mul3A_1083, %add3A_1141 : i32
      %add3A_1143 = vector.broadcast %add3A_1142 : i32 to vector<16xi32>
      %add3A_1144 = arith.addi %iota3A, %add3A_1143 : vector<16xi32>
      %jit3A_1145 = arith.constant 1048576 : i32
      %broadcast_in_dim3A_1146 = vector.broadcast %jit3A_1145 : i32 to vector<16xi32>
      %select_n3A_1147 = arith.select %eq3A_1140, %add3A_1144, %broadcast_in_dim3A_1146 : vector<16xi1>, vector<16xi32>
      %min3A_1148 = arith.minsi %min3A_1122, %select_n3A_1147 : vector<16xi32>
      %max3A_1149 = arith.maxsi %min3A_1122, %select_n3A_1147 : vector<16xi32>
      %min3A_1150 = arith.minsi %min3A_1124, %max3A_1149 : vector<16xi32>
      %jit3A_1151 = arith.constant 1048576 : i32
      %broadcast_in_dim3A_1152 = vector.broadcast %jit3A_1151 : i32 to vector<16xi32>
      %select_n3A_1153 = arith.select %eq3A_1140, %broadcast_in_dim3A_1152, %add3A_1144 : vector<16xi1>, vector<16xi32>
      %min3A_1154 = arith.minsi %min3A_1128, %select_n3A_1153 : vector<16xi32>
      %jit3A_1155 = arith.constant 1 : i32
      %jit3A_1156 = arith.constant 0 : i32
      %broadcast_in_dim3A_1157 = vector.broadcast %jit3A_1155 : i32 to vector<16xi32>
      %broadcast_in_dim3A_1158 = vector.broadcast %jit3A_1156 : i32 to vector<16xi32>
      %select_n3A_1159 = arith.select %eq3A_1140, %broadcast_in_dim3A_1157, %broadcast_in_dim3A_1158 : vector<16xi1>, vector<16xi32>
      %add3A_1160 = arith.addi %add3A_1134, %select_n3A_1159 : vector<16xi32>
      %add3A_1161 = arith.constant 48 : i32
      %add3A_1162 = arith.addi %mul3A_1083, %add3A_1161 : i32
      %get3A_1163 = arith.index_cast %add3A_1162 : i32 to index
      %get3A_1164 = tpu.vector_load %arg6[%get3A_1163] {strides = array<i32>} : memref<4096xi32, #tpu.memory_space<vmem>>, vector<16xi32>,
      %eq3A_1165 = vector.broadcast %add3A : i32 to vector<16xi32>
      %eq3A_1166 = arith.cmpi eq, %get3A_1164, %eq3A_1165 : vector<16xi32>
      %add3A_1167 = arith.constant 48 : i32
      %add3A_1168 = arith.addi %mul3A_1083, %add3A_1167 : i32
      %add3A_1169 = vector.broadcast %add3A_1168 : i32 to vector<16xi32>
      %add3A_1170 = arith.addi %iota3A, %add3A_1169 : vector<16xi32>
      %jit3A_1171 = arith.constant 1048576 : i32
      %broadcast_in_dim3A_1172 = vector.broadcast %jit3A_1171 : i32 to vector<16xi32>
      %select_n3A_1173 = arith.select %eq3A_1166, %add3A_1170, %broadcast_in_dim3A_1172 : vector<16xi1>, vector<16xi32>
      %min3A_1174 = arith.minsi %min3A_1148, %select_n3A_1173 : vector<16xi32>
      %max3A_1175 = arith.maxsi %min3A_1148, %select_n3A_1173 : vector<16xi32>
      %min3A_1176 = arith.minsi %min3A_1150, %max3A_1175 : vector<16xi32>
      %jit3A_1177 = arith.constant 1048576 : i32
      %broadcast_in_dim3A_1178 = vector.broadcast %jit3A_1177 : i32 to vector<16xi32>
      %select_n3A_1179 = arith.select %eq3A_1166, %broadcast_in_dim3A_1178, %add3A_1170 : vector<16xi1>, vector<16xi32>
      %min3A_1180 = arith.minsi %min3A_1154, %select_n3A_1179 : vector<16xi32>
      %jit3A_1181 = arith.constant 1 : i32
      %jit3A_1182 = arith.constant 0 : i32
      %broadcast_in_dim3A_1183 = vector.broadcast %jit3A_1181 : i32 to vector<16xi32>
      %broadcast_in_dim3A_1184 = vector.broadcast %jit3A_1182 : i32 to vector<16xi32>
      %select_n3A_1185 = arith.select %eq3A_1166, %broadcast_in_dim3A_1183, %broadcast_in_dim3A_1184 : vector<16xi1>, vector<16xi32>
      %add3A_1186 = arith.addi %add3A_1160, %select_n3A_1185 : vector<16xi32>
      %add3A_1187 = arith.constant 64 : i32
      %add3A_1188 = arith.addi %mul3A_1083, %add3A_1187 : i32
      %get3A_1189 = arith.index_cast %add3A_1188 : i32 to index
      %get3A_1190 = tpu.vector_load %arg6[%get3A_1189] {strides = array<i32>} : memref<4096xi32, #tpu.memory_space<vmem>>, vector<16xi32>,
      %eq3A_1191 = vector.broadcast %add3A : i32 to vector<16xi32>
      %eq3A_1192 = arith.cmpi eq, %get3A_1190, %eq3A_1191 : vector<16xi32>
      %add3A_1193 = arith.constant 64 : i32
      %add3A_1194 = arith.addi %mul3A_1083, %add3A_1193 : i32
      %add3A_1195 = vector.broadcast %add3A_1194 : i32 to vector<16xi32>
      %add3A_1196 = arith.addi %iota3A, %add3A_1195 : vector<16xi32>
      %jit3A_1197 = arith.constant 1048576 : i32
      %broadcast_in_dim3A_1198 = vector.broadcast %jit3A_1197 : i32 to vector<16xi32>
      %select_n3A_1199 = arith.select %eq3A_1192, %add3A_1196, %broadcast_in_dim3A_1198 : vector<16xi1>, vector<16xi32>
      %min3A_1200 = arith.minsi %min3A_1174, %select_n3A_1199 : vector<16xi32>
      %max3A_1201 = arith.maxsi %min3A_1174, %select_n3A_1199 : vector<16xi32>
      %min3A_1202 = arith.minsi %min3A_1176, %max3A_1201 : vector<16xi32>
      %jit3A_1203 = arith.constant 1048576 : i32
      %broadcast_in_dim3A_1204 = vector.broadcast %jit3A_1203 : i32 to vector<16xi32>
      %select_n3A_1205 = arith.select %eq3A_1192, %broadcast_in_dim3A_1204, %add3A_1196 : vector<16xi1>, vector<16xi32>
      %min3A_1206 = arith.minsi %min3A_1180, %select_n3A_1205 : vector<16xi32>
      %jit3A_1207 = arith.constant 1 : i32
      %jit3A_1208 = arith.constant 0 : i32
      %broadcast_in_dim3A_1209 = vector.broadcast %jit3A_1207 : i32 to vector<16xi32>
      %broadcast_in_dim3A_1210 = vector.broadcast %jit3A_1208 : i32 to vector<16xi32>
      %select_n3A_1211 = arith.select %eq3A_1192, %broadcast_in_dim3A_1209, %broadcast_in_dim3A_1210 : vector<16xi1>, vector<16xi32>
      %add3A_1212 = arith.addi %add3A_1186, %select_n3A_1211 : vector<16xi32>
      %add3A_1213 = arith.constant 80 : i32
      %add3A_1214 = arith.addi %mul3A_1083, %add3A_1213 : i32
      %get3A_1215 = arith.index_cast %add3A_1214 : i32 to index
      %get3A_1216 = tpu.vector_load %arg6[%get3A_1215] {strides = array<i32>} : memref<4096xi32, #tpu.memory_space<vmem>>, vector<16xi32>,
      %eq3A_1217 = vector.broadcast %add3A : i32 to vector<16xi32>
      %eq3A_1218 = arith.cmpi eq, %get3A_1216, %eq3A_1217 : vector<16xi32>
      %add3A_1219 = arith.constant 80 : i32
      %add3A_1220 = arith.addi %mul3A_1083, %add3A_1219 : i32
      %add3A_1221 = vector.broadcast %add3A_1220 : i32 to vector<16xi32>
      %add3A_1222 = arith.addi %iota3A, %add3A_1221 : vector<16xi32>
      %jit3A_1223 = arith.constant 1048576 : i32
      %broadcast_in_dim3A_1224 = vector.broadcast %jit3A_1223 : i32 to vector<16xi32>
      %select_n3A_1225 = arith.select %eq3A_1218, %add3A_1222, %broadcast_in_dim3A_1224 : vector<16xi1>, vector<16xi32>
      %min3A_1226 = arith.minsi %min3A_1200, %select_n3A_1225 : vector<16xi32>
      %max3A_1227 = arith.maxsi %min3A_1200, %select_n3A_1225 : vector<16xi32>
      %min3A_1228 = arith.minsi %min3A_1202, %max3A_1227 : vector<16xi32>
      %jit3A_1229 = arith.constant 1048576 : i32
      %broadcast_in_dim3A_1230 = vector.broadcast %jit3A_1229 : i32 to vector<16xi32>
      %select_n3A_1231 = arith.select %eq3A_1218, %broadcast_in_dim3A_1230, %add3A_1222 : vector<16xi1>, vector<16xi32>
      %min3A_1232 = arith.minsi %min3A_1206, %select_n3A_1231 : vector<16xi32>
      %jit3A_1233 = arith.constant 1 : i32
      %jit3A_1234 = arith.constant 0 : i32
      %broadcast_in_dim3A_1235 = vector.broadcast %jit3A_1233 : i32 to vector<16xi32>
      %broadcast_in_dim3A_1236 = vector.broadcast %jit3A_1234 : i32 to vector<16xi32>
      %select_n3A_1237 = arith.select %eq3A_1218, %broadcast_in_dim3A_1235, %broadcast_in_dim3A_1236 : vector<16xi1>, vector<16xi32>
      %add3A_1238 = arith.addi %add3A_1212, %select_n3A_1237 : vector<16xi32>
      %add3A_1239 = arith.constant 96 : i32
      %add3A_1240 = arith.addi %mul3A_1083, %add3A_1239 : i32
      %get3A_1241 = arith.index_cast %add3A_1240 : i32 to index
      %get3A_1242 = tpu.vector_load %arg6[%get3A_1241] {strides = array<i32>} : memref<4096xi32, #tpu.memory_space<vmem>>, vector<16xi32>,
      %eq3A_1243 = vector.broadcast %add3A : i32 to vector<16xi32>
      %eq3A_1244 = arith.cmpi eq, %get3A_1242, %eq3A_1243 : vector<16xi32>
      %add3A_1245 = arith.constant 96 : i32
      %add3A_1246 = arith.addi %mul3A_1083, %add3A_1245 : i32
      %add3A_1247 = vector.broadcast %add3A_1246 : i32 to vector<16xi32>
      %add3A_1248 = arith.addi %iota3A, %add3A_1247 : vector<16xi32>
      %jit3A_1249 = arith.constant 1048576 : i32
      %broadcast_in_dim3A_1250 = vector.broadcast %jit3A_1249 : i32 to vector<16xi32>
      %select_n3A_1251 = arith.select %eq3A_1244, %add3A_1248, %broadcast_in_dim3A_1250 : vector<16xi1>, vector<16xi32>
      %min3A_1252 = arith.minsi %min3A_1226, %select_n3A_1251 : vector<16xi32>
      %max3A_1253 = arith.maxsi %min3A_1226, %select_n3A_1251 : vector<16xi32>
      %min3A_1254 = arith.minsi %min3A_1228, %max3A_1253 : vector<16xi32>
      %jit3A_1255 = arith.constant 1048576 : i32
      %broadcast_in_dim3A_1256 = vector.broadcast %jit3A_1255 : i32 to vector<16xi32>
      %select_n3A_1257 = arith.select %eq3A_1244, %broadcast_in_dim3A_1256, %add3A_1248 : vector<16xi1>, vector<16xi32>
      %min3A_1258 = arith.minsi %min3A_1232, %select_n3A_1257 : vector<16xi32>
      %jit3A_1259 = arith.constant 1 : i32
      %jit3A_1260 = arith.constant 0 : i32
      %broadcast_in_dim3A_1261 = vector.broadcast %jit3A_1259 : i32 to vector<16xi32>
      %broadcast_in_dim3A_1262 = vector.broadcast %jit3A_1260 : i32 to vector<16xi32>
      %select_n3A_1263 = arith.select %eq3A_1244, %broadcast_in_dim3A_1261, %broadcast_in_dim3A_1262 : vector<16xi1>, vector<16xi32>
      %add3A_1264 = arith.addi %add3A_1238, %select_n3A_1263 : vector<16xi32>
      %add3A_1265 = arith.constant 112 : i32
      %add3A_1266 = arith.addi %mul3A_1083, %add3A_1265 : i32
      %get3A_1267 = arith.index_cast %add3A_1266 : i32 to index
      %get3A_1268 = tpu.vector_load %arg6[%get3A_1267] {strides = array<i32>} : memref<4096xi32, #tpu.memory_space<vmem>>, vector<16xi32>,
      %eq3A_1269 = vector.broadcast %add3A : i32 to vector<16xi32>
      %eq3A_1270 = arith.cmpi eq, %get3A_1268, %eq3A_1269 : vector<16xi32>
      %add3A_1271 = arith.constant 112 : i32
      %add3A_1272 = arith.addi %mul3A_1083, %add3A_1271 : i32
      %add3A_1273 = vector.broadcast %add3A_1272 : i32 to vector<16xi32>
      %add3A_1274 = arith.addi %iota3A, %add3A_1273 : vector<16xi32>
      %jit3A_1275 = arith.constant 1048576 : i32
      %broadcast_in_dim3A_1276 = vector.broadcast %jit3A_1275 : i32 to vector<16xi32>
      %select_n3A_1277 = arith.select %eq3A_1270, %add3A_1274, %broadcast_in_dim3A_1276 : vector<16xi1>, vector<16xi32>
      %min3A_1278 = arith.minsi %min3A_1252, %select_n3A_1277 : vector<16xi32>
      %max3A_1279 = arith.maxsi %min3A_1252, %select_n3A_1277 : vector<16xi32>
      %min3A_1280 = arith.minsi %min3A_1254, %max3A_1279 : vector<16xi32>
      %jit3A_1281 = arith.constant 1048576 : i32
      %broadcast_in_dim3A_1282 = vector.broadcast %jit3A_1281 : i32 to vector<16xi32>
      %select_n3A_1283 = arith.select %eq3A_1270, %broadcast_in_dim3A_1282, %add3A_1274 : vector<16xi1>, vector<16xi32>
      %min3A_1284 = arith.minsi %min3A_1258, %select_n3A_1283 : vector<16xi32>
      %jit3A_1285 = arith.constant 1 : i32
      %jit3A_1286 = arith.constant 0 : i32
      %broadcast_in_dim3A_1287 = vector.broadcast %jit3A_1285 : i32 to vector<16xi32>
      %broadcast_in_dim3A_1288 = vector.broadcast %jit3A_1286 : i32 to vector<16xi32>
      %select_n3A_1289 = arith.select %eq3A_1270, %broadcast_in_dim3A_1287, %broadcast_in_dim3A_1288 : vector<16xi1>, vector<16xi32>
      %add3A_1290 = arith.addi %add3A_1264, %select_n3A_1289 : vector<16xi32>
      scf.yield %min3A_1278, %min3A_1280, %min3A_1284, %add3A_1290 : vector<16xi32>, vector<16xi32>, vector<16xi32>, vector<16xi32>
    }
    %scan3A_8 = arith.constant 32 : i32
    %convert_element_type3A = arith.sitofp %scan3A_7#0 : vector<16xi32> to vector<16xf32>
    %convert_element_type3A_9 = arith.sitofp %scan3A_7#1 : vector<16xi32> to vector<16xf32>
    %reduce_min3A = arith.constant true
    %reduce_min3A_10 = vector.broadcast %reduce_min3A : i1 to vector<16xi1>
    %reduce_min3A_11 = tpu.scan <min>, %convert_element_type3A masked %reduce_min3A_10 : vector<16xf32>, vector<16xi1> -> vector<16xf32>
    %reduce_min3A_12 = vector.extract %reduce_min3A_11[15] : f32 from vector<16xf32>
    %eq3A = vector.broadcast %reduce_min3A_12 : f32 to vector<16xf32>
    %eq3A_13 = arith.cmpf oeq, %convert_element_type3A, %eq3A : vector<16xf32>
    %select_n3A = arith.select %eq3A_13, %convert_element_type3A_9, %convert_element_type3A : vector<16xi1>, vector<16xf32>
    %reduce_min3A_14 = arith.constant true
    %reduce_min3A_15 = vector.broadcast %reduce_min3A_14 : i1 to vector<16xi1>
    %reduce_min3A_16 = tpu.scan <min>, %select_n3A masked %reduce_min3A_15 : vector<16xf32>, vector<16xi1> -> vector<16xf32>
    %reduce_min3A_17 = vector.extract %reduce_min3A_16[15] : f32 from vector<16xf32>
    %convert_element_type3A_18 = arith.sitofp %scan3A_7#2 : vector<16xi32> to vector<16xf32>
    %reduce_min3A_19 = arith.constant true
    %reduce_min3A_20 = vector.broadcast %reduce_min3A_19 : i1 to vector<16xi1>
    %reduce_min3A_21 = tpu.scan <min>, %convert_element_type3A_18 masked %reduce_min3A_20 : vector<16xf32>, vector<16xi1> -> vector<16xf32>
    %reduce_min3A_22 = vector.extract %reduce_min3A_21[15] : f32 from vector<16xf32>
    %convert_element_type3A_23 = arith.sitofp %scan3A_7#3 : vector<16xi32> to vector<16xf32>
    %reduce_sum3A = arith.constant true
    %reduce_sum3A_24 = vector.broadcast %reduce_sum3A : i1 to vector<16xi1>
    %reduce_sum3A_25 = tpu.scan <sum>, %convert_element_type3A_23 masked %reduce_sum3A_24 : vector<16xf32>, vector<16xi1> -> vector<16xf32>
    %reduce_sum3A_26 = vector.extract %reduce_sum3A_25[15] : f32 from vector<16xf32>
    %min3A = arith.constant 4.095000e+03 : f32
    %min3A_27 = arith.minimumf %reduce_min3A_12, %min3A : f32
    %convert_element_type3A_28 = arith.fptosi %min3A_27 : f32 to i32
    %min3A_29 = arith.constant 4.095000e+03 : f32
    %min3A_30 = arith.minimumf %reduce_min3A_17, %min3A_29 : f32
    %convert_element_type3A_31 = arith.fptosi %min3A_30 : f32 to i32
    %min3A_32 = arith.constant 4.095000e+03 : f32
    %min3A_33 = arith.minimumf %reduce_min3A_22, %min3A_32 : f32
    %convert_element_type3A_34 = arith.fptosi %min3A_33 : f32 to i32
    %eq3A_35 = arith.constant 0 : i32
    %eq3A_36 = vector.broadcast %eq3A_35 : i32 to vector<16xi32>
    %eq3A_37 = arith.cmpi eq, %iota3A, %eq3A_36 : vector<16xi32>
    %eq3A_38 = arith.constant 1 : i32
    %eq3A_39 = vector.broadcast %eq3A_38 : i32 to vector<16xi32>
    %eq3A_40 = arith.cmpi eq, %iota3A, %eq3A_39 : vector<16xi32>
    %eq3A_41 = arith.constant 2 : i32
    %eq3A_42 = vector.broadcast %eq3A_41 : i32 to vector<16xi32>
    %eq3A_43 = arith.cmpi eq, %iota3A, %eq3A_42 : vector<16xi32>
    %jit3A = arith.constant 0 : i32
    %broadcast_in_dim3A_44 = vector.broadcast %convert_element_type3A_34 : i32 to vector<16xi32>
    %broadcast_in_dim3A_45 = vector.broadcast %jit3A : i32 to vector<16xi32>
    %select_n3A_46 = arith.select %eq3A_43, %broadcast_in_dim3A_44, %broadcast_in_dim3A_45 : vector<16xi1>, vector<16xi32>
    %broadcast_in_dim3A_47 = vector.broadcast %convert_element_type3A_31 : i32 to vector<16xi32>
    %select_n3A_48 = arith.select %eq3A_40, %broadcast_in_dim3A_47, %select_n3A_46 : vector<16xi1>, vector<16xi32>
    %broadcast_in_dim3A_49 = vector.broadcast %convert_element_type3A_28 : i32 to vector<16xi32>
    %select_n3A_50 = arith.select %eq3A_37, %broadcast_in_dim3A_49, %select_n3A_48 : vector<16xi1>, vector<16xi32>
    %swap3A = arith.constant 0 : index
    %swap3A_51 = tpu.vector_load %arg7[%swap3A] {strides = array<i32>} : memref<16xi32, #tpu.memory_space<vmem>>, vector<16xi32>,
    tpu.vector_store %arg7[%swap3A], %select_n3A_50 {strides = array<i32>} : memref<16xi32, #tpu.memory_space<vmem>>, vector<16xi32>,
    %dma_start3A = arith.constant 0 : i32
    %dma_start3A_52 = tpu.memref_slice %arg7[%dma_start3A] : memref<16xi32, #tpu.memory_space<vmem>> -> memref<8xi32, #tpu.memory_space<vmem>>
    %dma_start3A_53 = arith.constant 0 : i32
    %dma_start3A_54 = arith.constant 0 : i32
    %dma_start3A_55 = tpu.memref_slice %arg3[%dma_start3A_53, %dma_start3A_54] : memref<4096x512xf32, #tpu.memory_space<hbm>> -> memref<4096x512xf32, #tpu.memory_space<hbm>>
    tpu.enqueue_indirect_dma source(%dma_start3A_55 : memref<4096x512xf32, #tpu.memory_space<hbm>>) target(%arg8 : memref<8x512xf32, #tpu.memory_space<vmem>>) offsets(%dma_start3A_52 : memref<8xi32, #tpu.memory_space<vmem>>) semaphore(%arg10 : memref<!tpu.dma_semaphore, #tpu.memory_space<semaphore_mem>>)
    %dma_wait3A = arith.constant 0 : i32
    %dma_wait3A_56 = tpu.memref_slice %arg7[%dma_wait3A] : memref<16xi32, #tpu.memory_space<vmem>> -> memref<8xi32, #tpu.memory_space<vmem>>
    %dma_wait3A_57 = arith.constant 0 : i32
    %dma_wait3A_58 = arith.constant 0 : i32
    %dma_wait3A_59 = tpu.memref_slice %arg3[%dma_wait3A_57, %dma_wait3A_58] : memref<4096x512xf32, #tpu.memory_space<hbm>> -> memref<4096x512xf32, #tpu.memory_space<hbm>>
    tpu.wait_indirect_dma semaphore(%arg10 : memref<!tpu.dma_semaphore, #tpu.memory_space<semaphore_mem>>) src(%dma_wait3A_59 : memref<4096x512xf32, #tpu.memory_space<hbm>>) dst(%arg8 : memref<8x512xf32, #tpu.memory_space<vmem>>)
    %dma_start3A_60 = arith.constant 0 : i32
    %dma_start3A_61 = arith.constant 0 : i32
    %dma_start3A_62 = tpu.memref_slice %arg8[%dma_start3A_60, %dma_start3A_61] : memref<8x512xf32, #tpu.memory_space<vmem>> -> memref<1x512xf32, #tpu.memory_space<vmem>>
    %dma_start3A_63 = tpu.memref_squeeze %dma_start3A_62 : memref<1x512xf32, #tpu.memory_space<vmem>> -> memref<512xf32, #tpu.memory_space<vmem>>
    %dma_start3A_64 = arith.constant 0 : i32
    %dma_start3A_65 = tpu.memref_slice %arg4[%add3A, %dma_start3A_64] : memref<96x512xf32, #tpu.memory_space<hbm>> -> memref<1x512xf32, #tpu.memory_space<hbm>>
    %dma_start3A_66 = tpu.memref_squeeze %dma_start3A_65 : memref<1x512xf32, #tpu.memory_space<hbm>> -> memref<512xf32, #tpu.memory_space<hbm>>
    %dma_start3A_67 = arith.constant 0 : i32
    %dma_start3A_68 = tpu.memref_slice %arg4[%add3A, %dma_start3A_67] : memref<96x512xf32, #tpu.memory_space<hbm>> -> memref<1x512xf32, #tpu.memory_space<hbm>>
    %dma_start3A_69 = tpu.memref_squeeze %dma_start3A_68 : memref<1x512xf32, #tpu.memory_space<hbm>> -> memref<512xf32, #tpu.memory_space<hbm>>
    %dma_start3A_70 = arith.constant 0 : i32
    %dma_start3A_71 = tpu.memref_slice %arg8[%dma_start3A_60, %dma_start3A_70] : memref<8x512xf32, #tpu.memory_space<vmem>> -> memref<1x512xf32, #tpu.memory_space<vmem>>
    %dma_start3A_72 = tpu.memref_squeeze %dma_start3A_71 : memref<1x512xf32, #tpu.memory_space<vmem>> -> memref<512xf32, #tpu.memory_space<vmem>>
    tpu.enqueue_dma source(%dma_start3A_72 : memref<512xf32, #tpu.memory_space<vmem>>) target(%dma_start3A_69 : memref<512xf32, #tpu.memory_space<hbm>>) target_semaphore(%arg11 : memref<!tpu.dma_semaphore, #tpu.memory_space<semaphore_mem>>)
    %add3A_73 = arith.constant 32 : i32
    %add3A_74 = arith.addi %add3A_73, %add3A : i32
    %dma_start3A_75 = arith.constant 1 : i32
    %dma_start3A_76 = arith.constant 0 : i32
    %dma_start3A_77 = tpu.memref_slice %arg8[%dma_start3A_75, %dma_start3A_76] : memref<8x512xf32, #tpu.memory_space<vmem>> -> memref<1x512xf32, #tpu.memory_space<vmem>>
    %dma_start3A_78 = tpu.memref_squeeze %dma_start3A_77 : memref<1x512xf32, #tpu.memory_space<vmem>> -> memref<512xf32, #tpu.memory_space<vmem>>
    %dma_start3A_79 = arith.constant 0 : i32
    %dma_start3A_80 = tpu.memref_slice %arg4[%add3A_74, %dma_start3A_79] : memref<96x512xf32, #tpu.memory_space<hbm>> -> memref<1x512xf32, #tpu.memory_space<hbm>>
    %dma_start3A_81 = tpu.memref_squeeze %dma_start3A_80 : memref<1x512xf32, #tpu.memory_space<hbm>> -> memref<512xf32, #tpu.memory_space<hbm>>
    %dma_start3A_82 = arith.constant 0 : i32
    %dma_start3A_83 = tpu.memref_slice %arg4[%add3A_74, %dma_start3A_82] : memref<96x512xf32, #tpu.memory_space<hbm>> -> memref<1x512xf32, #tpu.memory_space<hbm>>
    %dma_start3A_84 = tpu.memref_squeeze %dma_start3A_83 : memref<1x512xf32, #tpu.memory_space<hbm>> -> memref<512xf32, #tpu.memory_space<hbm>>
    %dma_start3A_85 = arith.constant 0 : i32
    %dma_start3A_86 = tpu.memref_slice %arg8[%dma_start3A_75, %dma_start3A_85] : memref<8x512xf32, #tpu.memory_space<vmem>> -> memref<1x512xf32, #tpu.memory_space<vmem>>
    %dma_start3A_87 = tpu.memref_squeeze %dma_start3A_86 : memref<1x512xf32, #tpu.memory_space<vmem>> -> memref<512xf32, #tpu.memory_space<vmem>>
    tpu.enqueue_dma source(%dma_start3A_87 : memref<512xf32, #tpu.memory_space<vmem>>) target(%dma_start3A_84 : memref<512xf32, #tpu.memory_space<hbm>>) target_semaphore(%arg11 : memref<!tpu.dma_semaphore, #tpu.memory_space<semaphore_mem>>)
    %add3A_88 = arith.constant 64 : i32
    %add3A_89 = arith.addi %add3A_88, %add3A : i32
    %dma_start3A_90 = arith.constant 2 : i32
    %dma_start3A_91 = arith.constant 0 : i32
    %dma_start3A_92 = tpu.memref_slice %arg8[%dma_start3A_90, %dma_start3A_91] : memref<8x512xf32, #tpu.memory_space<vmem>> -> memref<1x512xf32, #tpu.memory_space<vmem>>
    %dma_start3A_93 = tpu.memref_squeeze %dma_start3A_92 : memref<1x512xf32, #tpu.memory_space<vmem>> -> memref<512xf32, #tpu.memory_space<vmem>>
    %dma_start3A_94 = arith.constant 0 : i32
    %dma_start3A_95 = tpu.memref_slice %arg4[%add3A_89, %dma_start3A_94] : memref<96x512xf32, #tpu.memory_space<hbm>> -> memref<1x512xf32, #tpu.memory_space<hbm>>
    %dma_start3A_96 = tpu.memref_squeeze %dma_start3A_95 : memref<1x512xf32, #tpu.memory_space<hbm>> -> memref<512xf32, #tpu.memory_space<hbm>>
    %dma_start3A_97 = arith.constant 0 : i32
    %dma_start3A_98 = tpu.memref_slice %arg4[%add3A_89, %dma_start3A_97] : memref<96x512xf32, #tpu.memory_space<hbm>> -> memref<1x512xf32, #tpu.memory_space<hbm>>
    %dma_start3A_99 = tpu.memref_squeeze %dma_start3A_98 : memref<1x512xf32, #tpu.memory_space<hbm>> -> memref<512xf32, #tpu.memory_space<hbm>>
    %dma_start3A_100 = arith.constant 0 : i32
    %dma_start3A_101 = tpu.memref_slice %arg8[%dma_start3A_90, %dma_start3A_100] : memref<8x512xf32, #tpu.memory_space<vmem>> -> memref<1x512xf32, #tpu.memory_space<vmem>>
    %dma_start3A_102 = tpu.memref_squeeze %dma_start3A_101 : memref<1x512xf32, #tpu.memory_space<vmem>> -> memref<512xf32, #tpu.memory_space<vmem>>
    tpu.enqueue_dma source(%dma_start3A_102 : memref<512xf32, #tpu.memory_space<vmem>>) target(%dma_start3A_99 : memref<512xf32, #tpu.memory_space<hbm>>) target_semaphore(%arg11 : memref<!tpu.dma_semaphore, #tpu.memory_space<semaphore_mem>>)
    %broadcast_in_dim3A_103 = arith.constant 0.000000e+00 : f32
    %broadcast_in_dim3A_104 = vector.broadcast %broadcast_in_dim3A_103 : f32 to vector<16xf32>
    %get3A = arith.constant 0 : i32
    %get3A_105 = arith.index_cast %get3A : i32 to index
    %get3A_106 = arith.constant 0 : index
    %get3A_107 = tpu.vector_load %arg8[%get3A_105, %get3A_106] {strides = array<i32>} : memref<8x512xf32, #tpu.memory_space<vmem>>, vector<16xf32>,
    %sub3A = arith.constant 2.000000e-06 : f32
    %sub3A_108 = vector.broadcast %sub3A : f32 to vector<16xf32>
    %sub3A_109 = arith.subf %get3A_107, %sub3A_108 : vector<16xf32>
    %mul3A_110 = arith.mulf %get3A_107, %sub3A_109 : vector<16xf32>
    %add3A_111 = arith.addf %broadcast_in_dim3A_104, %mul3A_110 : vector<16xf32>
    %get3A_112 = arith.constant 0 : i32
    %get3A_113 = arith.index_cast %get3A_112 : i32 to index
    %get3A_114 = arith.constant 16 : index
    %get3A_115 = tpu.vector_load %arg8[%get3A_113, %get3A_114] {strides = array<i32>} : memref<8x512xf32, #tpu.memory_space<vmem>>, vector<16xf32>,
    %sub3A_116 = arith.constant 2.000000e-06 : f32
    %sub3A_117 = vector.broadcast %sub3A_116 : f32 to vector<16xf32>
    %sub3A_118 = arith.subf %get3A_115, %sub3A_117 : vector<16xf32>
    %mul3A_119 = arith.mulf %get3A_115, %sub3A_118 : vector<16xf32>
    %add3A_120 = arith.addf %add3A_111, %mul3A_119 : vector<16xf32>
    %get3A_121 = arith.constant 0 : i32
    %get3A_122 = arith.index_cast %get3A_121 : i32 to index
    %get3A_123 = arith.constant 32 : index
    %get3A_124 = tpu.vector_load %arg8[%get3A_122, %get3A_123] {strides = array<i32>} : memref<8x512xf32, #tpu.memory_space<vmem>>, vector<16xf32>,
    %sub3A_125 = arith.constant 2.000000e-06 : f32
    %sub3A_126 = vector.broadcast %sub3A_125 : f32 to vector<16xf32>
    %sub3A_127 = arith.subf %get3A_124, %sub3A_126 : vector<16xf32>
    %mul3A_128 = arith.mulf %get3A_124, %sub3A_127 : vector<16xf32>
    %add3A_129 = arith.addf %add3A_120, %mul3A_128 : vector<16xf32>
    %get3A_130 = arith.constant 0 : i32
    %get3A_131 = arith.index_cast %get3A_130 : i32 to index
    %get3A_132 = arith.constant 48 : index
    %get3A_133 = tpu.vector_load %arg8[%get3A_131, %get3A_132] {strides = array<i32>} : memref<8x512xf32, #tpu.memory_space<vmem>>, vector<16xf32>,
    %sub3A_134 = arith.constant 2.000000e-06 : f32
    %sub3A_135 = vector.broadcast %sub3A_134 : f32 to vector<16xf32>
    %sub3A_136 = arith.subf %get3A_133, %sub3A_135 : vector<16xf32>
    %mul3A_137 = arith.mulf %get3A_133, %sub3A_136 : vector<16xf32>
    %add3A_138 = arith.addf %add3A_129, %mul3A_137 : vector<16xf32>
    %get3A_139 = arith.constant 0 : i32
    %get3A_140 = arith.index_cast %get3A_139 : i32 to index
    %get3A_141 = arith.constant 64 : index
    %get3A_142 = tpu.vector_load %arg8[%get3A_140, %get3A_141] {strides = array<i32>} : memref<8x512xf32, #tpu.memory_space<vmem>>, vector<16xf32>,
    %sub3A_143 = arith.constant 2.000000e-06 : f32
    %sub3A_144 = vector.broadcast %sub3A_143 : f32 to vector<16xf32>
    %sub3A_145 = arith.subf %get3A_142, %sub3A_144 : vector<16xf32>
    %mul3A_146 = arith.mulf %get3A_142, %sub3A_145 : vector<16xf32>
    %add3A_147 = arith.addf %add3A_138, %mul3A_146 : vector<16xf32>
    %get3A_148 = arith.constant 0 : i32
    %get3A_149 = arith.index_cast %get3A_148 : i32 to index
    %get3A_150 = arith.constant 80 : index
    %get3A_151 = tpu.vector_load %arg8[%get3A_149, %get3A_150] {strides = array<i32>} : memref<8x512xf32, #tpu.memory_space<vmem>>, vector<16xf32>,
    %sub3A_152 = arith.constant 2.000000e-06 : f32
    %sub3A_153 = vector.broadcast %sub3A_152 : f32 to vector<16xf32>
    %sub3A_154 = arith.subf %get3A_151, %sub3A_153 : vector<16xf32>
    %mul3A_155 = arith.mulf %get3A_151, %sub3A_154 : vector<16xf32>
    %add3A_156 = arith.addf %add3A_147, %mul3A_155 : vector<16xf32>
    %get3A_157 = arith.constant 0 : i32
    %get3A_158 = arith.index_cast %get3A_157 : i32 to index
    %get3A_159 = arith.constant 96 : index
    %get3A_160 = tpu.vector_load %arg8[%get3A_158, %get3A_159] {strides = array<i32>} : memref<8x512xf32, #tpu.memory_space<vmem>>, vector<16xf32>,
    %sub3A_161 = arith.constant 2.000000e-06 : f32
    %sub3A_162 = vector.broadcast %sub3A_161 : f32 to vector<16xf32>
    %sub3A_163 = arith.subf %get3A_160, %sub3A_162 : vector<16xf32>
    %mul3A_164 = arith.mulf %get3A_160, %sub3A_163 : vector<16xf32>
    %add3A_165 = arith.addf %add3A_156, %mul3A_164 : vector<16xf32>
    %get3A_166 = arith.constant 0 : i32
    %get3A_167 = arith.index_cast %get3A_166 : i32 to index
    %get3A_168 = arith.constant 112 : index
    %get3A_169 = tpu.vector_load %arg8[%get3A_167, %get3A_168] {strides = array<i32>} : memref<8x512xf32, #tpu.memory_space<vmem>>, vector<16xf32>,
    %sub3A_170 = arith.constant 2.000000e-06 : f32
    %sub3A_171 = vector.broadcast %sub3A_170 : f32 to vector<16xf32>
    %sub3A_172 = arith.subf %get3A_169, %sub3A_171 : vector<16xf32>
    %mul3A_173 = arith.mulf %get3A_169, %sub3A_172 : vector<16xf32>
    %add3A_174 = arith.addf %add3A_165, %mul3A_173 : vector<16xf32>
    %get3A_175 = arith.constant 0 : i32
    %get3A_176 = arith.index_cast %get3A_175 : i32 to index
    %get3A_177 = arith.constant 128 : index
    %get3A_178 = tpu.vector_load %arg8[%get3A_176, %get3A_177] {strides = array<i32>} : memref<8x512xf32, #tpu.memory_space<vmem>>, vector<16xf32>,
    %sub3A_179 = arith.constant 2.000000e-06 : f32
    %sub3A_180 = vector.broadcast %sub3A_179 : f32 to vector<16xf32>
    %sub3A_181 = arith.subf %get3A_178, %sub3A_180 : vector<16xf32>
    %mul3A_182 = arith.mulf %get3A_178, %sub3A_181 : vector<16xf32>
    %add3A_183 = arith.addf %add3A_174, %mul3A_182 : vector<16xf32>
    %get3A_184 = arith.constant 0 : i32
    %get3A_185 = arith.index_cast %get3A_184 : i32 to index
    %get3A_186 = arith.constant 144 : index
    %get3A_187 = tpu.vector_load %arg8[%get3A_185, %get3A_186] {strides = array<i32>} : memref<8x512xf32, #tpu.memory_space<vmem>>, vector<16xf32>,
    %sub3A_188 = arith.constant 2.000000e-06 : f32
    %sub3A_189 = vector.broadcast %sub3A_188 : f32 to vector<16xf32>
    %sub3A_190 = arith.subf %get3A_187, %sub3A_189 : vector<16xf32>
    %mul3A_191 = arith.mulf %get3A_187, %sub3A_190 : vector<16xf32>
    %add3A_192 = arith.addf %add3A_183, %mul3A_191 : vector<16xf32>
    %get3A_193 = arith.constant 0 : i32
    %get3A_194 = arith.index_cast %get3A_193 : i32 to index
    %get3A_195 = arith.constant 160 : index
    %get3A_196 = tpu.vector_load %arg8[%get3A_194, %get3A_195] {strides = array<i32>} : memref<8x512xf32, #tpu.memory_space<vmem>>, vector<16xf32>,
    %sub3A_197 = arith.constant 2.000000e-06 : f32
    %sub3A_198 = vector.broadcast %sub3A_197 : f32 to vector<16xf32>
    %sub3A_199 = arith.subf %get3A_196, %sub3A_198 : vector<16xf32>
    %mul3A_200 = arith.mulf %get3A_196, %sub3A_199 : vector<16xf32>
    %add3A_201 = arith.addf %add3A_192, %mul3A_200 : vector<16xf32>
    %get3A_202 = arith.constant 0 : i32
    %get3A_203 = arith.index_cast %get3A_202 : i32 to index
    %get3A_204 = arith.constant 176 : index
    %get3A_205 = tpu.vector_load %arg8[%get3A_203, %get3A_204] {strides = array<i32>} : memref<8x512xf32, #tpu.memory_space<vmem>>, vector<16xf32>,
    %sub3A_206 = arith.constant 2.000000e-06 : f32
    %sub3A_207 = vector.broadcast %sub3A_206 : f32 to vector<16xf32>
    %sub3A_208 = arith.subf %get3A_205, %sub3A_207 : vector<16xf32>
    %mul3A_209 = arith.mulf %get3A_205, %sub3A_208 : vector<16xf32>
    %add3A_210 = arith.addf %add3A_201, %mul3A_209 : vector<16xf32>
    %get3A_211 = arith.constant 0 : i32
    %get3A_212 = arith.index_cast %get3A_211 : i32 to index
    %get3A_213 = arith.constant 192 : index
    %get3A_214 = tpu.vector_load %arg8[%get3A_212, %get3A_213] {strides = array<i32>} : memref<8x512xf32, #tpu.memory_space<vmem>>, vector<16xf32>,
    %sub3A_215 = arith.constant 2.000000e-06 : f32
    %sub3A_216 = vector.broadcast %sub3A_215 : f32 to vector<16xf32>
    %sub3A_217 = arith.subf %get3A_214, %sub3A_216 : vector<16xf32>
    %mul3A_218 = arith.mulf %get3A_214, %sub3A_217 : vector<16xf32>
    %add3A_219 = arith.addf %add3A_210, %mul3A_218 : vector<16xf32>
    %get3A_220 = arith.constant 0 : i32
    %get3A_221 = arith.index_cast %get3A_220 : i32 to index
    %get3A_222 = arith.constant 208 : index
    %get3A_223 = tpu.vector_load %arg8[%get3A_221, %get3A_222] {strides = array<i32>} : memref<8x512xf32, #tpu.memory_space<vmem>>, vector<16xf32>,
    %sub3A_224 = arith.constant 2.000000e-06 : f32
    %sub3A_225 = vector.broadcast %sub3A_224 : f32 to vector<16xf32>
    %sub3A_226 = arith.subf %get3A_223, %sub3A_225 : vector<16xf32>
    %mul3A_227 = arith.mulf %get3A_223, %sub3A_226 : vector<16xf32>
    %add3A_228 = arith.addf %add3A_219, %mul3A_227 : vector<16xf32>
    %get3A_229 = arith.constant 0 : i32
    %get3A_230 = arith.index_cast %get3A_229 : i32 to index
    %get3A_231 = arith.constant 224 : index
    %get3A_232 = tpu.vector_load %arg8[%get3A_230, %get3A_231] {strides = array<i32>} : memref<8x512xf32, #tpu.memory_space<vmem>>, vector<16xf32>,
    %sub3A_233 = arith.constant 2.000000e-06 : f32
    %sub3A_234 = vector.broadcast %sub3A_233 : f32 to vector<16xf32>
    %sub3A_235 = arith.subf %get3A_232, %sub3A_234 : vector<16xf32>
    %mul3A_236 = arith.mulf %get3A_232, %sub3A_235 : vector<16xf32>
    %add3A_237 = arith.addf %add3A_228, %mul3A_236 : vector<16xf32>
    %get3A_238 = arith.constant 0 : i32
    %get3A_239 = arith.index_cast %get3A_238 : i32 to index
    %get3A_240 = arith.constant 240 : index
    %get3A_241 = tpu.vector_load %arg8[%get3A_239, %get3A_240] {strides = array<i32>} : memref<8x512xf32, #tpu.memory_space<vmem>>, vector<16xf32>,
    %sub3A_242 = arith.constant 2.000000e-06 : f32
    %sub3A_243 = vector.broadcast %sub3A_242 : f32 to vector<16xf32>
    %sub3A_244 = arith.subf %get3A_241, %sub3A_243 : vector<16xf32>
    %mul3A_245 = arith.mulf %get3A_241, %sub3A_244 : vector<16xf32>
    %add3A_246 = arith.addf %add3A_237, %mul3A_245 : vector<16xf32>
    %get3A_247 = arith.constant 0 : i32
    %get3A_248 = arith.index_cast %get3A_247 : i32 to index
    %get3A_249 = arith.constant 256 : index
    %get3A_250 = tpu.vector_load %arg8[%get3A_248, %get3A_249] {strides = array<i32>} : memref<8x512xf32, #tpu.memory_space<vmem>>, vector<16xf32>,
    %sub3A_251 = arith.constant 2.000000e-06 : f32
    %sub3A_252 = vector.broadcast %sub3A_251 : f32 to vector<16xf32>
    %sub3A_253 = arith.subf %get3A_250, %sub3A_252 : vector<16xf32>
    %mul3A_254 = arith.mulf %get3A_250, %sub3A_253 : vector<16xf32>
    %add3A_255 = arith.addf %add3A_246, %mul3A_254 : vector<16xf32>
    %get3A_256 = arith.constant 0 : i32
    %get3A_257 = arith.index_cast %get3A_256 : i32 to index
    %get3A_258 = arith.constant 272 : index
    %get3A_259 = tpu.vector_load %arg8[%get3A_257, %get3A_258] {strides = array<i32>} : memref<8x512xf32, #tpu.memory_space<vmem>>, vector<16xf32>,
    %sub3A_260 = arith.constant 2.000000e-06 : f32
    %sub3A_261 = vector.broadcast %sub3A_260 : f32 to vector<16xf32>
    %sub3A_262 = arith.subf %get3A_259, %sub3A_261 : vector<16xf32>
    %mul3A_263 = arith.mulf %get3A_259, %sub3A_262 : vector<16xf32>
    %add3A_264 = arith.addf %add3A_255, %mul3A_263 : vector<16xf32>
    %get3A_265 = arith.constant 0 : i32
    %get3A_266 = arith.index_cast %get3A_265 : i32 to index
    %get3A_267 = arith.constant 288 : index
    %get3A_268 = tpu.vector_load %arg8[%get3A_266, %get3A_267] {strides = array<i32>} : memref<8x512xf32, #tpu.memory_space<vmem>>, vector<16xf32>,
    %sub3A_269 = arith.constant 2.000000e-06 : f32
    %sub3A_270 = vector.broadcast %sub3A_269 : f32 to vector<16xf32>
    %sub3A_271 = arith.subf %get3A_268, %sub3A_270 : vector<16xf32>
    %mul3A_272 = arith.mulf %get3A_268, %sub3A_271 : vector<16xf32>
    %add3A_273 = arith.addf %add3A_264, %mul3A_272 : vector<16xf32>
    %get3A_274 = arith.constant 0 : i32
    %get3A_275 = arith.index_cast %get3A_274 : i32 to index
    %get3A_276 = arith.constant 304 : index
    %get3A_277 = tpu.vector_load %arg8[%get3A_275, %get3A_276] {strides = array<i32>} : memref<8x512xf32, #tpu.memory_space<vmem>>, vector<16xf32>,
    %sub3A_278 = arith.constant 2.000000e-06 : f32
    %sub3A_279 = vector.broadcast %sub3A_278 : f32 to vector<16xf32>
    %sub3A_280 = arith.subf %get3A_277, %sub3A_279 : vector<16xf32>
    %mul3A_281 = arith.mulf %get3A_277, %sub3A_280 : vector<16xf32>
    %add3A_282 = arith.addf %add3A_273, %mul3A_281 : vector<16xf32>
    %get3A_283 = arith.constant 0 : i32
    %get3A_284 = arith.index_cast %get3A_283 : i32 to index
    %get3A_285 = arith.constant 320 : index
    %get3A_286 = tpu.vector_load %arg8[%get3A_284, %get3A_285] {strides = array<i32>} : memref<8x512xf32, #tpu.memory_space<vmem>>, vector<16xf32>,
    %sub3A_287 = arith.constant 2.000000e-06 : f32
    %sub3A_288 = vector.broadcast %sub3A_287 : f32 to vector<16xf32>
    %sub3A_289 = arith.subf %get3A_286, %sub3A_288 : vector<16xf32>
    %mul3A_290 = arith.mulf %get3A_286, %sub3A_289 : vector<16xf32>
    %add3A_291 = arith.addf %add3A_282, %mul3A_290 : vector<16xf32>
    %get3A_292 = arith.constant 0 : i32
    %get3A_293 = arith.index_cast %get3A_292 : i32 to index
    %get3A_294 = arith.constant 336 : index
    %get3A_295 = tpu.vector_load %arg8[%get3A_293, %get3A_294] {strides = array<i32>} : memref<8x512xf32, #tpu.memory_space<vmem>>, vector<16xf32>,
    %sub3A_296 = arith.constant 2.000000e-06 : f32
    %sub3A_297 = vector.broadcast %sub3A_296 : f32 to vector<16xf32>
    %sub3A_298 = arith.subf %get3A_295, %sub3A_297 : vector<16xf32>
    %mul3A_299 = arith.mulf %get3A_295, %sub3A_298 : vector<16xf32>
    %add3A_300 = arith.addf %add3A_291, %mul3A_299 : vector<16xf32>
    %get3A_301 = arith.constant 0 : i32
    %get3A_302 = arith.index_cast %get3A_301 : i32 to index
    %get3A_303 = arith.constant 352 : index
    %get3A_304 = tpu.vector_load %arg8[%get3A_302, %get3A_303] {strides = array<i32>} : memref<8x512xf32, #tpu.memory_space<vmem>>, vector<16xf32>,
    %sub3A_305 = arith.constant 2.000000e-06 : f32
    %sub3A_306 = vector.broadcast %sub3A_305 : f32 to vector<16xf32>
    %sub3A_307 = arith.subf %get3A_304, %sub3A_306 : vector<16xf32>
    %mul3A_308 = arith.mulf %get3A_304, %sub3A_307 : vector<16xf32>
    %add3A_309 = arith.addf %add3A_300, %mul3A_308 : vector<16xf32>
    %get3A_310 = arith.constant 0 : i32
    %get3A_311 = arith.index_cast %get3A_310 : i32 to index
    %get3A_312 = arith.constant 368 : index
    %get3A_313 = tpu.vector_load %arg8[%get3A_311, %get3A_312] {strides = array<i32>} : memref<8x512xf32, #tpu.memory_space<vmem>>, vector<16xf32>,
    %sub3A_314 = arith.constant 2.000000e-06 : f32
    %sub3A_315 = vector.broadcast %sub3A_314 : f32 to vector<16xf32>
    %sub3A_316 = arith.subf %get3A_313, %sub3A_315 : vector<16xf32>
    %mul3A_317 = arith.mulf %get3A_313, %sub3A_316 : vector<16xf32>
    %add3A_318 = arith.addf %add3A_309, %mul3A_317 : vector<16xf32>
    %get3A_319 = arith.constant 0 : i32
    %get3A_320 = arith.index_cast %get3A_319 : i32 to index
    %get3A_321 = arith.constant 384 : index
    %get3A_322 = tpu.vector_load %arg8[%get3A_320, %get3A_321] {strides = array<i32>} : memref<8x512xf32, #tpu.memory_space<vmem>>, vector<16xf32>,
    %sub3A_323 = arith.constant 2.000000e-06 : f32
    %sub3A_324 = vector.broadcast %sub3A_323 : f32 to vector<16xf32>
    %sub3A_325 = arith.subf %get3A_322, %sub3A_324 : vector<16xf32>
    %mul3A_326 = arith.mulf %get3A_322, %sub3A_325 : vector<16xf32>
    %add3A_327 = arith.addf %add3A_318, %mul3A_326 : vector<16xf32>
    %get3A_328 = arith.constant 0 : i32
    %get3A_329 = arith.index_cast %get3A_328 : i32 to index
    %get3A_330 = arith.constant 400 : index
    %get3A_331 = tpu.vector_load %arg8[%get3A_329, %get3A_330] {strides = array<i32>} : memref<8x512xf32, #tpu.memory_space<vmem>>, vector<16xf32>,
    %sub3A_332 = arith.constant 2.000000e-06 : f32
    %sub3A_333 = vector.broadcast %sub3A_332 : f32 to vector<16xf32>
    %sub3A_334 = arith.subf %get3A_331, %sub3A_333 : vector<16xf32>
    %mul3A_335 = arith.mulf %get3A_331, %sub3A_334 : vector<16xf32>
    %add3A_336 = arith.addf %add3A_327, %mul3A_335 : vector<16xf32>
    %get3A_337 = arith.constant 0 : i32
    %get3A_338 = arith.index_cast %get3A_337 : i32 to index
    %get3A_339 = arith.constant 416 : index
    %get3A_340 = tpu.vector_load %arg8[%get3A_338, %get3A_339] {strides = array<i32>} : memref<8x512xf32, #tpu.memory_space<vmem>>, vector<16xf32>,
    %sub3A_341 = arith.constant 2.000000e-06 : f32
    %sub3A_342 = vector.broadcast %sub3A_341 : f32 to vector<16xf32>
    %sub3A_343 = arith.subf %get3A_340, %sub3A_342 : vector<16xf32>
    %mul3A_344 = arith.mulf %get3A_340, %sub3A_343 : vector<16xf32>
    %add3A_345 = arith.addf %add3A_336, %mul3A_344 : vector<16xf32>
    %get3A_346 = arith.constant 0 : i32
    %get3A_347 = arith.index_cast %get3A_346 : i32 to index
    %get3A_348 = arith.constant 432 : index
    %get3A_349 = tpu.vector_load %arg8[%get3A_347, %get3A_348] {strides = array<i32>} : memref<8x512xf32, #tpu.memory_space<vmem>>, vector<16xf32>,
    %sub3A_350 = arith.constant 2.000000e-06 : f32
    %sub3A_351 = vector.broadcast %sub3A_350 : f32 to vector<16xf32>
    %sub3A_352 = arith.subf %get3A_349, %sub3A_351 : vector<16xf32>
    %mul3A_353 = arith.mulf %get3A_349, %sub3A_352 : vector<16xf32>
    %add3A_354 = arith.addf %add3A_345, %mul3A_353 : vector<16xf32>
    %get3A_355 = arith.constant 0 : i32
    %get3A_356 = arith.index_cast %get3A_355 : i32 to index
    %get3A_357 = arith.constant 448 : index
    %get3A_358 = tpu.vector_load %arg8[%get3A_356, %get3A_357] {strides = array<i32>} : memref<8x512xf32, #tpu.memory_space<vmem>>, vector<16xf32>,
    %sub3A_359 = arith.constant 2.000000e-06 : f32
    %sub3A_360 = vector.broadcast %sub3A_359 : f32 to vector<16xf32>
    %sub3A_361 = arith.subf %get3A_358, %sub3A_360 : vector<16xf32>
    %mul3A_362 = arith.mulf %get3A_358, %sub3A_361 : vector<16xf32>
    %add3A_363 = arith.addf %add3A_354, %mul3A_362 : vector<16xf32>
    %get3A_364 = arith.constant 0 : i32
    %get3A_365 = arith.index_cast %get3A_364 : i32 to index
    %get3A_366 = arith.constant 464 : index
    %get3A_367 = tpu.vector_load %arg8[%get3A_365, %get3A_366] {strides = array<i32>} : memref<8x512xf32, #tpu.memory_space<vmem>>, vector<16xf32>,
    %sub3A_368 = arith.constant 2.000000e-06 : f32
    %sub3A_369 = vector.broadcast %sub3A_368 : f32 to vector<16xf32>
    %sub3A_370 = arith.subf %get3A_367, %sub3A_369 : vector<16xf32>
    %mul3A_371 = arith.mulf %get3A_367, %sub3A_370 : vector<16xf32>
    %add3A_372 = arith.addf %add3A_363, %mul3A_371 : vector<16xf32>
    %get3A_373 = arith.constant 0 : i32
    %get3A_374 = arith.index_cast %get3A_373 : i32 to index
    %get3A_375 = arith.constant 480 : index
    %get3A_376 = tpu.vector_load %arg8[%get3A_374, %get3A_375] {strides = array<i32>} : memref<8x512xf32, #tpu.memory_space<vmem>>, vector<16xf32>,
    %sub3A_377 = arith.constant 2.000000e-06 : f32
    %sub3A_378 = vector.broadcast %sub3A_377 : f32 to vector<16xf32>
    %sub3A_379 = arith.subf %get3A_376, %sub3A_378 : vector<16xf32>
    %mul3A_380 = arith.mulf %get3A_376, %sub3A_379 : vector<16xf32>
    %add3A_381 = arith.addf %add3A_372, %mul3A_380 : vector<16xf32>
    %get3A_382 = arith.constant 0 : i32
    %get3A_383 = arith.index_cast %get3A_382 : i32 to index
    %get3A_384 = arith.constant 496 : index
    %get3A_385 = tpu.vector_load %arg8[%get3A_383, %get3A_384] {strides = array<i32>} : memref<8x512xf32, #tpu.memory_space<vmem>>, vector<16xf32>,
    %sub3A_386 = arith.constant 2.000000e-06 : f32
    %sub3A_387 = vector.broadcast %sub3A_386 : f32 to vector<16xf32>
    %sub3A_388 = arith.subf %get3A_385, %sub3A_387 : vector<16xf32>
    %mul3A_389 = arith.mulf %get3A_385, %sub3A_388 : vector<16xf32>
    %add3A_390 = arith.addf %add3A_381, %mul3A_389 : vector<16xf32>
    %reduce_sum3A_391 = arith.constant true
    %reduce_sum3A_392 = vector.broadcast %reduce_sum3A_391 : i1 to vector<16xi1>
    %reduce_sum3A_393 = tpu.scan <sum>, %add3A_390 masked %reduce_sum3A_392 : vector<16xf32>, vector<16xi1> -> vector<16xf32>
    %reduce_sum3A_394 = vector.extract %reduce_sum3A_393[15] : f32 from vector<16xf32>
    %broadcast_in_dim3A_395 = arith.constant 0.000000e+00 : f32
    %broadcast_in_dim3A_396 = vector.broadcast %broadcast_in_dim3A_395 : f32 to vector<16xf32>
    %get3A_397 = arith.constant 1 : i32
    %get3A_398 = arith.index_cast %get3A_397 : i32 to index
    %get3A_399 = arith.constant 0 : index
    %get3A_400 = tpu.vector_load %arg8[%get3A_398, %get3A_399] {strides = array<i32>} : memref<8x512xf32, #tpu.memory_space<vmem>>, vector<16xf32>,
    %sub3A_401 = arith.constant 2.000000e-06 : f32
    %sub3A_402 = vector.broadcast %sub3A_401 : f32 to vector<16xf32>
    %sub3A_403 = arith.subf %get3A_400, %sub3A_402 : vector<16xf32>
    %mul3A_404 = arith.mulf %get3A_400, %sub3A_403 : vector<16xf32>
    %add3A_405 = arith.addf %broadcast_in_dim3A_396, %mul3A_404 : vector<16xf32>
    %get3A_406 = arith.constant 1 : i32
    %get3A_407 = arith.index_cast %get3A_406 : i32 to index
    %get3A_408 = arith.constant 16 : index
    %get3A_409 = tpu.vector_load %arg8[%get3A_407, %get3A_408] {strides = array<i32>} : memref<8x512xf32, #tpu.memory_space<vmem>>, vector<16xf32>,
    %sub3A_410 = arith.constant 2.000000e-06 : f32
    %sub3A_411 = vector.broadcast %sub3A_410 : f32 to vector<16xf32>
    %sub3A_412 = arith.subf %get3A_409, %sub3A_411 : vector<16xf32>
    %mul3A_413 = arith.mulf %get3A_409, %sub3A_412 : vector<16xf32>
    %add3A_414 = arith.addf %add3A_405, %mul3A_413 : vector<16xf32>
    %get3A_415 = arith.constant 1 : i32
    %get3A_416 = arith.index_cast %get3A_415 : i32 to index
    %get3A_417 = arith.constant 32 : index
    %get3A_418 = tpu.vector_load %arg8[%get3A_416, %get3A_417] {strides = array<i32>} : memref<8x512xf32, #tpu.memory_space<vmem>>, vector<16xf32>,
    %sub3A_419 = arith.constant 2.000000e-06 : f32
    %sub3A_420 = vector.broadcast %sub3A_419 : f32 to vector<16xf32>
    %sub3A_421 = arith.subf %get3A_418, %sub3A_420 : vector<16xf32>
    %mul3A_422 = arith.mulf %get3A_418, %sub3A_421 : vector<16xf32>
    %add3A_423 = arith.addf %add3A_414, %mul3A_422 : vector<16xf32>
    %get3A_424 = arith.constant 1 : i32
    %get3A_425 = arith.index_cast %get3A_424 : i32 to index
    %get3A_426 = arith.constant 48 : index
    %get3A_427 = tpu.vector_load %arg8[%get3A_425, %get3A_426] {strides = array<i32>} : memref<8x512xf32, #tpu.memory_space<vmem>>, vector<16xf32>,
    %sub3A_428 = arith.constant 2.000000e-06 : f32
    %sub3A_429 = vector.broadcast %sub3A_428 : f32 to vector<16xf32>
    %sub3A_430 = arith.subf %get3A_427, %sub3A_429 : vector<16xf32>
    %mul3A_431 = arith.mulf %get3A_427, %sub3A_430 : vector<16xf32>
    %add3A_432 = arith.addf %add3A_423, %mul3A_431 : vector<16xf32>
    %get3A_433 = arith.constant 1 : i32
    %get3A_434 = arith.index_cast %get3A_433 : i32 to index
    %get3A_435 = arith.constant 64 : index
    %get3A_436 = tpu.vector_load %arg8[%get3A_434, %get3A_435] {strides = array<i32>} : memref<8x512xf32, #tpu.memory_space<vmem>>, vector<16xf32>,
    %sub3A_437 = arith.constant 2.000000e-06 : f32
    %sub3A_438 = vector.broadcast %sub3A_437 : f32 to vector<16xf32>
    %sub3A_439 = arith.subf %get3A_436, %sub3A_438 : vector<16xf32>
    %mul3A_440 = arith.mulf %get3A_436, %sub3A_439 : vector<16xf32>
    %add3A_441 = arith.addf %add3A_432, %mul3A_440 : vector<16xf32>
    %get3A_442 = arith.constant 1 : i32
    %get3A_443 = arith.index_cast %get3A_442 : i32 to index
    %get3A_444 = arith.constant 80 : index
    %get3A_445 = tpu.vector_load %arg8[%get3A_443, %get3A_444] {strides = array<i32>} : memref<8x512xf32, #tpu.memory_space<vmem>>, vector<16xf32>,
    %sub3A_446 = arith.constant 2.000000e-06 : f32
    %sub3A_447 = vector.broadcast %sub3A_446 : f32 to vector<16xf32>
    %sub3A_448 = arith.subf %get3A_445, %sub3A_447 : vector<16xf32>
    %mul3A_449 = arith.mulf %get3A_445, %sub3A_448 : vector<16xf32>
    %add3A_450 = arith.addf %add3A_441, %mul3A_449 : vector<16xf32>
    %get3A_451 = arith.constant 1 : i32
    %get3A_452 = arith.index_cast %get3A_451 : i32 to index
    %get3A_453 = arith.constant 96 : index
    %get3A_454 = tpu.vector_load %arg8[%get3A_452, %get3A_453] {strides = array<i32>} : memref<8x512xf32, #tpu.memory_space<vmem>>, vector<16xf32>,
    %sub3A_455 = arith.constant 2.000000e-06 : f32
    %sub3A_456 = vector.broadcast %sub3A_455 : f32 to vector<16xf32>
    %sub3A_457 = arith.subf %get3A_454, %sub3A_456 : vector<16xf32>
    %mul3A_458 = arith.mulf %get3A_454, %sub3A_457 : vector<16xf32>
    %add3A_459 = arith.addf %add3A_450, %mul3A_458 : vector<16xf32>
    %get3A_460 = arith.constant 1 : i32
    %get3A_461 = arith.index_cast %get3A_460 : i32 to index
    %get3A_462 = arith.constant 112 : index
    %get3A_463 = tpu.vector_load %arg8[%get3A_461, %get3A_462] {strides = array<i32>} : memref<8x512xf32, #tpu.memory_space<vmem>>, vector<16xf32>,
    %sub3A_464 = arith.constant 2.000000e-06 : f32
    %sub3A_465 = vector.broadcast %sub3A_464 : f32 to vector<16xf32>
    %sub3A_466 = arith.subf %get3A_463, %sub3A_465 : vector<16xf32>
    %mul3A_467 = arith.mulf %get3A_463, %sub3A_466 : vector<16xf32>
    %add3A_468 = arith.addf %add3A_459, %mul3A_467 : vector<16xf32>
    %get3A_469 = arith.constant 1 : i32
    %get3A_470 = arith.index_cast %get3A_469 : i32 to index
    %get3A_471 = arith.constant 128 : index
    %get3A_472 = tpu.vector_load %arg8[%get3A_470, %get3A_471] {strides = array<i32>} : memref<8x512xf32, #tpu.memory_space<vmem>>, vector<16xf32>,
    %sub3A_473 = arith.constant 2.000000e-06 : f32
    %sub3A_474 = vector.broadcast %sub3A_473 : f32 to vector<16xf32>
    %sub3A_475 = arith.subf %get3A_472, %sub3A_474 : vector<16xf32>
    %mul3A_476 = arith.mulf %get3A_472, %sub3A_475 : vector<16xf32>
    %add3A_477 = arith.addf %add3A_468, %mul3A_476 : vector<16xf32>
    %get3A_478 = arith.constant 1 : i32
    %get3A_479 = arith.index_cast %get3A_478 : i32 to index
    %get3A_480 = arith.constant 144 : index
    %get3A_481 = tpu.vector_load %arg8[%get3A_479, %get3A_480] {strides = array<i32>} : memref<8x512xf32, #tpu.memory_space<vmem>>, vector<16xf32>,
    %sub3A_482 = arith.constant 2.000000e-06 : f32
    %sub3A_483 = vector.broadcast %sub3A_482 : f32 to vector<16xf32>
    %sub3A_484 = arith.subf %get3A_481, %sub3A_483 : vector<16xf32>
    %mul3A_485 = arith.mulf %get3A_481, %sub3A_484 : vector<16xf32>
    %add3A_486 = arith.addf %add3A_477, %mul3A_485 : vector<16xf32>
    %get3A_487 = arith.constant 1 : i32
    %get3A_488 = arith.index_cast %get3A_487 : i32 to index
    %get3A_489 = arith.constant 160 : index
    %get3A_490 = tpu.vector_load %arg8[%get3A_488, %get3A_489] {strides = array<i32>} : memref<8x512xf32, #tpu.memory_space<vmem>>, vector<16xf32>,
    %sub3A_491 = arith.constant 2.000000e-06 : f32
    %sub3A_492 = vector.broadcast %sub3A_491 : f32 to vector<16xf32>
    %sub3A_493 = arith.subf %get3A_490, %sub3A_492 : vector<16xf32>
    %mul3A_494 = arith.mulf %get3A_490, %sub3A_493 : vector<16xf32>
    %add3A_495 = arith.addf %add3A_486, %mul3A_494 : vector<16xf32>
    %get3A_496 = arith.constant 1 : i32
    %get3A_497 = arith.index_cast %get3A_496 : i32 to index
    %get3A_498 = arith.constant 176 : index
    %get3A_499 = tpu.vector_load %arg8[%get3A_497, %get3A_498] {strides = array<i32>} : memref<8x512xf32, #tpu.memory_space<vmem>>, vector<16xf32>,
    %sub3A_500 = arith.constant 2.000000e-06 : f32
    %sub3A_501 = vector.broadcast %sub3A_500 : f32 to vector<16xf32>
    %sub3A_502 = arith.subf %get3A_499, %sub3A_501 : vector<16xf32>
    %mul3A_503 = arith.mulf %get3A_499, %sub3A_502 : vector<16xf32>
    %add3A_504 = arith.addf %add3A_495, %mul3A_503 : vector<16xf32>
    %get3A_505 = arith.constant 1 : i32
    %get3A_506 = arith.index_cast %get3A_505 : i32 to index
    %get3A_507 = arith.constant 192 : index
    %get3A_508 = tpu.vector_load %arg8[%get3A_506, %get3A_507] {strides = array<i32>} : memref<8x512xf32, #tpu.memory_space<vmem>>, vector<16xf32>,
    %sub3A_509 = arith.constant 2.000000e-06 : f32
    %sub3A_510 = vector.broadcast %sub3A_509 : f32 to vector<16xf32>
    %sub3A_511 = arith.subf %get3A_508, %sub3A_510 : vector<16xf32>
    %mul3A_512 = arith.mulf %get3A_508, %sub3A_511 : vector<16xf32>
    %add3A_513 = arith.addf %add3A_504, %mul3A_512 : vector<16xf32>
    %get3A_514 = arith.constant 1 : i32
    %get3A_515 = arith.index_cast %get3A_514 : i32 to index
    %get3A_516 = arith.constant 208 : index
    %get3A_517 = tpu.vector_load %arg8[%get3A_515, %get3A_516] {strides = array<i32>} : memref<8x512xf32, #tpu.memory_space<vmem>>, vector<16xf32>,
    %sub3A_518 = arith.constant 2.000000e-06 : f32
    %sub3A_519 = vector.broadcast %sub3A_518 : f32 to vector<16xf32>
    %sub3A_520 = arith.subf %get3A_517, %sub3A_519 : vector<16xf32>
    %mul3A_521 = arith.mulf %get3A_517, %sub3A_520 : vector<16xf32>
    %add3A_522 = arith.addf %add3A_513, %mul3A_521 : vector<16xf32>
    %get3A_523 = arith.constant 1 : i32
    %get3A_524 = arith.index_cast %get3A_523 : i32 to index
    %get3A_525 = arith.constant 224 : index
    %get3A_526 = tpu.vector_load %arg8[%get3A_524, %get3A_525] {strides = array<i32>} : memref<8x512xf32, #tpu.memory_space<vmem>>, vector<16xf32>,
    %sub3A_527 = arith.constant 2.000000e-06 : f32
    %sub3A_528 = vector.broadcast %sub3A_527 : f32 to vector<16xf32>
    %sub3A_529 = arith.subf %get3A_526, %sub3A_528 : vector<16xf32>
    %mul3A_530 = arith.mulf %get3A_526, %sub3A_529 : vector<16xf32>
    %add3A_531 = arith.addf %add3A_522, %mul3A_530 : vector<16xf32>
    %get3A_532 = arith.constant 1 : i32
    %get3A_533 = arith.index_cast %get3A_532 : i32 to index
    %get3A_534 = arith.constant 240 : index
    %get3A_535 = tpu.vector_load %arg8[%get3A_533, %get3A_534] {strides = array<i32>} : memref<8x512xf32, #tpu.memory_space<vmem>>, vector<16xf32>,
    %sub3A_536 = arith.constant 2.000000e-06 : f32
    %sub3A_537 = vector.broadcast %sub3A_536 : f32 to vector<16xf32>
    %sub3A_538 = arith.subf %get3A_535, %sub3A_537 : vector<16xf32>
    %mul3A_539 = arith.mulf %get3A_535, %sub3A_538 : vector<16xf32>
    %add3A_540 = arith.addf %add3A_531, %mul3A_539 : vector<16xf32>
    %get3A_541 = arith.constant 1 : i32
    %get3A_542 = arith.index_cast %get3A_541 : i32 to index
    %get3A_543 = arith.constant 256 : index
    %get3A_544 = tpu.vector_load %arg8[%get3A_542, %get3A_543] {strides = array<i32>} : memref<8x512xf32, #tpu.memory_space<vmem>>, vector<16xf32>,
    %sub3A_545 = arith.constant 2.000000e-06 : f32
    %sub3A_546 = vector.broadcast %sub3A_545 : f32 to vector<16xf32>
    %sub3A_547 = arith.subf %get3A_544, %sub3A_546 : vector<16xf32>
    %mul3A_548 = arith.mulf %get3A_544, %sub3A_547 : vector<16xf32>
    %add3A_549 = arith.addf %add3A_540, %mul3A_548 : vector<16xf32>
    %get3A_550 = arith.constant 1 : i32
    %get3A_551 = arith.index_cast %get3A_550 : i32 to index
    %get3A_552 = arith.constant 272 : index
    %get3A_553 = tpu.vector_load %arg8[%get3A_551, %get3A_552] {strides = array<i32>} : memref<8x512xf32, #tpu.memory_space<vmem>>, vector<16xf32>,
    %sub3A_554 = arith.constant 2.000000e-06 : f32
    %sub3A_555 = vector.broadcast %sub3A_554 : f32 to vector<16xf32>
    %sub3A_556 = arith.subf %get3A_553, %sub3A_555 : vector<16xf32>
    %mul3A_557 = arith.mulf %get3A_553, %sub3A_556 : vector<16xf32>
    %add3A_558 = arith.addf %add3A_549, %mul3A_557 : vector<16xf32>
    %get3A_559 = arith.constant 1 : i32
    %get3A_560 = arith.index_cast %get3A_559 : i32 to index
    %get3A_561 = arith.constant 288 : index
    %get3A_562 = tpu.vector_load %arg8[%get3A_560, %get3A_561] {strides = array<i32>} : memref<8x512xf32, #tpu.memory_space<vmem>>, vector<16xf32>,
    %sub3A_563 = arith.constant 2.000000e-06 : f32
    %sub3A_564 = vector.broadcast %sub3A_563 : f32 to vector<16xf32>
    %sub3A_565 = arith.subf %get3A_562, %sub3A_564 : vector<16xf32>
    %mul3A_566 = arith.mulf %get3A_562, %sub3A_565 : vector<16xf32>
    %add3A_567 = arith.addf %add3A_558, %mul3A_566 : vector<16xf32>
    %get3A_568 = arith.constant 1 : i32
    %get3A_569 = arith.index_cast %get3A_568 : i32 to index
    %get3A_570 = arith.constant 304 : index
    %get3A_571 = tpu.vector_load %arg8[%get3A_569, %get3A_570] {strides = array<i32>} : memref<8x512xf32, #tpu.memory_space<vmem>>, vector<16xf32>,
    %sub3A_572 = arith.constant 2.000000e-06 : f32
    %sub3A_573 = vector.broadcast %sub3A_572 : f32 to vector<16xf32>
    %sub3A_574 = arith.subf %get3A_571, %sub3A_573 : vector<16xf32>
    %mul3A_575 = arith.mulf %get3A_571, %sub3A_574 : vector<16xf32>
    %add3A_576 = arith.addf %add3A_567, %mul3A_575 : vector<16xf32>
    %get3A_577 = arith.constant 1 : i32
    %get3A_578 = arith.index_cast %get3A_577 : i32 to index
    %get3A_579 = arith.constant 320 : index
    %get3A_580 = tpu.vector_load %arg8[%get3A_578, %get3A_579] {strides = array<i32>} : memref<8x512xf32, #tpu.memory_space<vmem>>, vector<16xf32>,
    %sub3A_581 = arith.constant 2.000000e-06 : f32
    %sub3A_582 = vector.broadcast %sub3A_581 : f32 to vector<16xf32>
    %sub3A_583 = arith.subf %get3A_580, %sub3A_582 : vector<16xf32>
    %mul3A_584 = arith.mulf %get3A_580, %sub3A_583 : vector<16xf32>
    %add3A_585 = arith.addf %add3A_576, %mul3A_584 : vector<16xf32>
    %get3A_586 = arith.constant 1 : i32
    %get3A_587 = arith.index_cast %get3A_586 : i32 to index
    %get3A_588 = arith.constant 336 : index
    %get3A_589 = tpu.vector_load %arg8[%get3A_587, %get3A_588] {strides = array<i32>} : memref<8x512xf32, #tpu.memory_space<vmem>>, vector<16xf32>,
    %sub3A_590 = arith.constant 2.000000e-06 : f32
    %sub3A_591 = vector.broadcast %sub3A_590 : f32 to vector<16xf32>
    %sub3A_592 = arith.subf %get3A_589, %sub3A_591 : vector<16xf32>
    %mul3A_593 = arith.mulf %get3A_589, %sub3A_592 : vector<16xf32>
    %add3A_594 = arith.addf %add3A_585, %mul3A_593 : vector<16xf32>
    %get3A_595 = arith.constant 1 : i32
    %get3A_596 = arith.index_cast %get3A_595 : i32 to index
    %get3A_597 = arith.constant 352 : index
    %get3A_598 = tpu.vector_load %arg8[%get3A_596, %get3A_597] {strides = array<i32>} : memref<8x512xf32, #tpu.memory_space<vmem>>, vector<16xf32>,
    %sub3A_599 = arith.constant 2.000000e-06 : f32
    %sub3A_600 = vector.broadcast %sub3A_599 : f32 to vector<16xf32>
    %sub3A_601 = arith.subf %get3A_598, %sub3A_600 : vector<16xf32>
    %mul3A_602 = arith.mulf %get3A_598, %sub3A_601 : vector<16xf32>
    %add3A_603 = arith.addf %add3A_594, %mul3A_602 : vector<16xf32>
    %get3A_604 = arith.constant 1 : i32
    %get3A_605 = arith.index_cast %get3A_604 : i32 to index
    %get3A_606 = arith.constant 368 : index
    %get3A_607 = tpu.vector_load %arg8[%get3A_605, %get3A_606] {strides = array<i32>} : memref<8x512xf32, #tpu.memory_space<vmem>>, vector<16xf32>,
    %sub3A_608 = arith.constant 2.000000e-06 : f32
    %sub3A_609 = vector.broadcast %sub3A_608 : f32 to vector<16xf32>
    %sub3A_610 = arith.subf %get3A_607, %sub3A_609 : vector<16xf32>
    %mul3A_611 = arith.mulf %get3A_607, %sub3A_610 : vector<16xf32>
    %add3A_612 = arith.addf %add3A_603, %mul3A_611 : vector<16xf32>
    %get3A_613 = arith.constant 1 : i32
    %get3A_614 = arith.index_cast %get3A_613 : i32 to index
    %get3A_615 = arith.constant 384 : index
    %get3A_616 = tpu.vector_load %arg8[%get3A_614, %get3A_615] {strides = array<i32>} : memref<8x512xf32, #tpu.memory_space<vmem>>, vector<16xf32>,
    %sub3A_617 = arith.constant 2.000000e-06 : f32
    %sub3A_618 = vector.broadcast %sub3A_617 : f32 to vector<16xf32>
    %sub3A_619 = arith.subf %get3A_616, %sub3A_618 : vector<16xf32>
    %mul3A_620 = arith.mulf %get3A_616, %sub3A_619 : vector<16xf32>
    %add3A_621 = arith.addf %add3A_612, %mul3A_620 : vector<16xf32>
    %get3A_622 = arith.constant 1 : i32
    %get3A_623 = arith.index_cast %get3A_622 : i32 to index
    %get3A_624 = arith.constant 400 : index
    %get3A_625 = tpu.vector_load %arg8[%get3A_623, %get3A_624] {strides = array<i32>} : memref<8x512xf32, #tpu.memory_space<vmem>>, vector<16xf32>,
    %sub3A_626 = arith.constant 2.000000e-06 : f32
    %sub3A_627 = vector.broadcast %sub3A_626 : f32 to vector<16xf32>
    %sub3A_628 = arith.subf %get3A_625, %sub3A_627 : vector<16xf32>
    %mul3A_629 = arith.mulf %get3A_625, %sub3A_628 : vector<16xf32>
    %add3A_630 = arith.addf %add3A_621, %mul3A_629 : vector<16xf32>
    %get3A_631 = arith.constant 1 : i32
    %get3A_632 = arith.index_cast %get3A_631 : i32 to index
    %get3A_633 = arith.constant 416 : index
    %get3A_634 = tpu.vector_load %arg8[%get3A_632, %get3A_633] {strides = array<i32>} : memref<8x512xf32, #tpu.memory_space<vmem>>, vector<16xf32>,
    %sub3A_635 = arith.constant 2.000000e-06 : f32
    %sub3A_636 = vector.broadcast %sub3A_635 : f32 to vector<16xf32>
    %sub3A_637 = arith.subf %get3A_634, %sub3A_636 : vector<16xf32>
    %mul3A_638 = arith.mulf %get3A_634, %sub3A_637 : vector<16xf32>
    %add3A_639 = arith.addf %add3A_630, %mul3A_638 : vector<16xf32>
    %get3A_640 = arith.constant 1 : i32
    %get3A_641 = arith.index_cast %get3A_640 : i32 to index
    %get3A_642 = arith.constant 432 : index
    %get3A_643 = tpu.vector_load %arg8[%get3A_641, %get3A_642] {strides = array<i32>} : memref<8x512xf32, #tpu.memory_space<vmem>>, vector<16xf32>,
    %sub3A_644 = arith.constant 2.000000e-06 : f32
    %sub3A_645 = vector.broadcast %sub3A_644 : f32 to vector<16xf32>
    %sub3A_646 = arith.subf %get3A_643, %sub3A_645 : vector<16xf32>
    %mul3A_647 = arith.mulf %get3A_643, %sub3A_646 : vector<16xf32>
    %add3A_648 = arith.addf %add3A_639, %mul3A_647 : vector<16xf32>
    %get3A_649 = arith.constant 1 : i32
    %get3A_650 = arith.index_cast %get3A_649 : i32 to index
    %get3A_651 = arith.constant 448 : index
    %get3A_652 = tpu.vector_load %arg8[%get3A_650, %get3A_651] {strides = array<i32>} : memref<8x512xf32, #tpu.memory_space<vmem>>, vector<16xf32>,
    %sub3A_653 = arith.constant 2.000000e-06 : f32
    %sub3A_654 = vector.broadcast %sub3A_653 : f32 to vector<16xf32>
    %sub3A_655 = arith.subf %get3A_652, %sub3A_654 : vector<16xf32>
    %mul3A_656 = arith.mulf %get3A_652, %sub3A_655 : vector<16xf32>
    %add3A_657 = arith.addf %add3A_648, %mul3A_656 : vector<16xf32>
    %get3A_658 = arith.constant 1 : i32
    %get3A_659 = arith.index_cast %get3A_658 : i32 to index
    %get3A_660 = arith.constant 464 : index
    %get3A_661 = tpu.vector_load %arg8[%get3A_659, %get3A_660] {strides = array<i32>} : memref<8x512xf32, #tpu.memory_space<vmem>>, vector<16xf32>,
    %sub3A_662 = arith.constant 2.000000e-06 : f32
    %sub3A_663 = vector.broadcast %sub3A_662 : f32 to vector<16xf32>
    %sub3A_664 = arith.subf %get3A_661, %sub3A_663 : vector<16xf32>
    %mul3A_665 = arith.mulf %get3A_661, %sub3A_664 : vector<16xf32>
    %add3A_666 = arith.addf %add3A_657, %mul3A_665 : vector<16xf32>
    %get3A_667 = arith.constant 1 : i32
    %get3A_668 = arith.index_cast %get3A_667 : i32 to index
    %get3A_669 = arith.constant 480 : index
    %get3A_670 = tpu.vector_load %arg8[%get3A_668, %get3A_669] {strides = array<i32>} : memref<8x512xf32, #tpu.memory_space<vmem>>, vector<16xf32>,
    %sub3A_671 = arith.constant 2.000000e-06 : f32
    %sub3A_672 = vector.broadcast %sub3A_671 : f32 to vector<16xf32>
    %sub3A_673 = arith.subf %get3A_670, %sub3A_672 : vector<16xf32>
    %mul3A_674 = arith.mulf %get3A_670, %sub3A_673 : vector<16xf32>
    %add3A_675 = arith.addf %add3A_666, %mul3A_674 : vector<16xf32>
    %get3A_676 = arith.constant 1 : i32
    %get3A_677 = arith.index_cast %get3A_676 : i32 to index
    %get3A_678 = arith.constant 496 : index
    %get3A_679 = tpu.vector_load %arg8[%get3A_677, %get3A_678] {strides = array<i32>} : memref<8x512xf32, #tpu.memory_space<vmem>>, vector<16xf32>,
    %sub3A_680 = arith.constant 2.000000e-06 : f32
    %sub3A_681 = vector.broadcast %sub3A_680 : f32 to vector<16xf32>
    %sub3A_682 = arith.subf %get3A_679, %sub3A_681 : vector<16xf32>
    %mul3A_683 = arith.mulf %get3A_679, %sub3A_682 : vector<16xf32>
    %add3A_684 = arith.addf %add3A_675, %mul3A_683 : vector<16xf32>
    %reduce_sum3A_685 = arith.constant true
    %reduce_sum3A_686 = vector.broadcast %reduce_sum3A_685 : i1 to vector<16xi1>
    %reduce_sum3A_687 = tpu.scan <sum>, %add3A_684 masked %reduce_sum3A_686 : vector<16xf32>, vector<16xi1> -> vector<16xf32>
    %reduce_sum3A_688 = vector.extract %reduce_sum3A_687[15] : f32 from vector<16xf32>
    %broadcast_in_dim3A_689 = arith.constant 0.000000e+00 : f32
    %broadcast_in_dim3A_690 = vector.broadcast %broadcast_in_dim3A_689 : f32 to vector<16xf32>
    %get3A_691 = arith.constant 2 : i32
    %get3A_692 = arith.index_cast %get3A_691 : i32 to index
    %get3A_693 = arith.constant 0 : index
    %get3A_694 = tpu.vector_load %arg8[%get3A_692, %get3A_693] {strides = array<i32>} : memref<8x512xf32, #tpu.memory_space<vmem>>, vector<16xf32>,
    %sub3A_695 = arith.constant 2.000000e-06 : f32
    %sub3A_696 = vector.broadcast %sub3A_695 : f32 to vector<16xf32>
    %sub3A_697 = arith.subf %get3A_694, %sub3A_696 : vector<16xf32>
    %mul3A_698 = arith.mulf %get3A_694, %sub3A_697 : vector<16xf32>
    %add3A_699 = arith.addf %broadcast_in_dim3A_690, %mul3A_698 : vector<16xf32>
    %get3A_700 = arith.constant 2 : i32
    %get3A_701 = arith.index_cast %get3A_700 : i32 to index
    %get3A_702 = arith.constant 16 : index
    %get3A_703 = tpu.vector_load %arg8[%get3A_701, %get3A_702] {strides = array<i32>} : memref<8x512xf32, #tpu.memory_space<vmem>>, vector<16xf32>,
    %sub3A_704 = arith.constant 2.000000e-06 : f32
    %sub3A_705 = vector.broadcast %sub3A_704 : f32 to vector<16xf32>
    %sub3A_706 = arith.subf %get3A_703, %sub3A_705 : vector<16xf32>
    %mul3A_707 = arith.mulf %get3A_703, %sub3A_706 : vector<16xf32>
    %add3A_708 = arith.addf %add3A_699, %mul3A_707 : vector<16xf32>
    %get3A_709 = arith.constant 2 : i32
    %get3A_710 = arith.index_cast %get3A_709 : i32 to index
    %get3A_711 = arith.constant 32 : index
    %get3A_712 = tpu.vector_load %arg8[%get3A_710, %get3A_711] {strides = array<i32>} : memref<8x512xf32, #tpu.memory_space<vmem>>, vector<16xf32>,
    %sub3A_713 = arith.constant 2.000000e-06 : f32
    %sub3A_714 = vector.broadcast %sub3A_713 : f32 to vector<16xf32>
    %sub3A_715 = arith.subf %get3A_712, %sub3A_714 : vector<16xf32>
    %mul3A_716 = arith.mulf %get3A_712, %sub3A_715 : vector<16xf32>
    %add3A_717 = arith.addf %add3A_708, %mul3A_716 : vector<16xf32>
    %get3A_718 = arith.constant 2 : i32
    %get3A_719 = arith.index_cast %get3A_718 : i32 to index
    %get3A_720 = arith.constant 48 : index
    %get3A_721 = tpu.vector_load %arg8[%get3A_719, %get3A_720] {strides = array<i32>} : memref<8x512xf32, #tpu.memory_space<vmem>>, vector<16xf32>,
    %sub3A_722 = arith.constant 2.000000e-06 : f32
    %sub3A_723 = vector.broadcast %sub3A_722 : f32 to vector<16xf32>
    %sub3A_724 = arith.subf %get3A_721, %sub3A_723 : vector<16xf32>
    %mul3A_725 = arith.mulf %get3A_721, %sub3A_724 : vector<16xf32>
    %add3A_726 = arith.addf %add3A_717, %mul3A_725 : vector<16xf32>
    %get3A_727 = arith.constant 2 : i32
    %get3A_728 = arith.index_cast %get3A_727 : i32 to index
    %get3A_729 = arith.constant 64 : index
    %get3A_730 = tpu.vector_load %arg8[%get3A_728, %get3A_729] {strides = array<i32>} : memref<8x512xf32, #tpu.memory_space<vmem>>, vector<16xf32>,
    %sub3A_731 = arith.constant 2.000000e-06 : f32
    %sub3A_732 = vector.broadcast %sub3A_731 : f32 to vector<16xf32>
    %sub3A_733 = arith.subf %get3A_730, %sub3A_732 : vector<16xf32>
    %mul3A_734 = arith.mulf %get3A_730, %sub3A_733 : vector<16xf32>
    %add3A_735 = arith.addf %add3A_726, %mul3A_734 : vector<16xf32>
    %get3A_736 = arith.constant 2 : i32
    %get3A_737 = arith.index_cast %get3A_736 : i32 to index
    %get3A_738 = arith.constant 80 : index
    %get3A_739 = tpu.vector_load %arg8[%get3A_737, %get3A_738] {strides = array<i32>} : memref<8x512xf32, #tpu.memory_space<vmem>>, vector<16xf32>,
    %sub3A_740 = arith.constant 2.000000e-06 : f32
    %sub3A_741 = vector.broadcast %sub3A_740 : f32 to vector<16xf32>
    %sub3A_742 = arith.subf %get3A_739, %sub3A_741 : vector<16xf32>
    %mul3A_743 = arith.mulf %get3A_739, %sub3A_742 : vector<16xf32>
    %add3A_744 = arith.addf %add3A_735, %mul3A_743 : vector<16xf32>
    %get3A_745 = arith.constant 2 : i32
    %get3A_746 = arith.index_cast %get3A_745 : i32 to index
    %get3A_747 = arith.constant 96 : index
    %get3A_748 = tpu.vector_load %arg8[%get3A_746, %get3A_747] {strides = array<i32>} : memref<8x512xf32, #tpu.memory_space<vmem>>, vector<16xf32>,
    %sub3A_749 = arith.constant 2.000000e-06 : f32
    %sub3A_750 = vector.broadcast %sub3A_749 : f32 to vector<16xf32>
    %sub3A_751 = arith.subf %get3A_748, %sub3A_750 : vector<16xf32>
    %mul3A_752 = arith.mulf %get3A_748, %sub3A_751 : vector<16xf32>
    %add3A_753 = arith.addf %add3A_744, %mul3A_752 : vector<16xf32>
    %get3A_754 = arith.constant 2 : i32
    %get3A_755 = arith.index_cast %get3A_754 : i32 to index
    %get3A_756 = arith.constant 112 : index
    %get3A_757 = tpu.vector_load %arg8[%get3A_755, %get3A_756] {strides = array<i32>} : memref<8x512xf32, #tpu.memory_space<vmem>>, vector<16xf32>,
    %sub3A_758 = arith.constant 2.000000e-06 : f32
    %sub3A_759 = vector.broadcast %sub3A_758 : f32 to vector<16xf32>
    %sub3A_760 = arith.subf %get3A_757, %sub3A_759 : vector<16xf32>
    %mul3A_761 = arith.mulf %get3A_757, %sub3A_760 : vector<16xf32>
    %add3A_762 = arith.addf %add3A_753, %mul3A_761 : vector<16xf32>
    %get3A_763 = arith.constant 2 : i32
    %get3A_764 = arith.index_cast %get3A_763 : i32 to index
    %get3A_765 = arith.constant 128 : index
    %get3A_766 = tpu.vector_load %arg8[%get3A_764, %get3A_765] {strides = array<i32>} : memref<8x512xf32, #tpu.memory_space<vmem>>, vector<16xf32>,
    %sub3A_767 = arith.constant 2.000000e-06 : f32
    %sub3A_768 = vector.broadcast %sub3A_767 : f32 to vector<16xf32>
    %sub3A_769 = arith.subf %get3A_766, %sub3A_768 : vector<16xf32>
    %mul3A_770 = arith.mulf %get3A_766, %sub3A_769 : vector<16xf32>
    %add3A_771 = arith.addf %add3A_762, %mul3A_770 : vector<16xf32>
    %get3A_772 = arith.constant 2 : i32
    %get3A_773 = arith.index_cast %get3A_772 : i32 to index
    %get3A_774 = arith.constant 144 : index
    %get3A_775 = tpu.vector_load %arg8[%get3A_773, %get3A_774] {strides = array<i32>} : memref<8x512xf32, #tpu.memory_space<vmem>>, vector<16xf32>,
    %sub3A_776 = arith.constant 2.000000e-06 : f32
    %sub3A_777 = vector.broadcast %sub3A_776 : f32 to vector<16xf32>
    %sub3A_778 = arith.subf %get3A_775, %sub3A_777 : vector<16xf32>
    %mul3A_779 = arith.mulf %get3A_775, %sub3A_778 : vector<16xf32>
    %add3A_780 = arith.addf %add3A_771, %mul3A_779 : vector<16xf32>
    %get3A_781 = arith.constant 2 : i32
    %get3A_782 = arith.index_cast %get3A_781 : i32 to index
    %get3A_783 = arith.constant 160 : index
    %get3A_784 = tpu.vector_load %arg8[%get3A_782, %get3A_783] {strides = array<i32>} : memref<8x512xf32, #tpu.memory_space<vmem>>, vector<16xf32>,
    %sub3A_785 = arith.constant 2.000000e-06 : f32
    %sub3A_786 = vector.broadcast %sub3A_785 : f32 to vector<16xf32>
    %sub3A_787 = arith.subf %get3A_784, %sub3A_786 : vector<16xf32>
    %mul3A_788 = arith.mulf %get3A_784, %sub3A_787 : vector<16xf32>
    %add3A_789 = arith.addf %add3A_780, %mul3A_788 : vector<16xf32>
    %get3A_790 = arith.constant 2 : i32
    %get3A_791 = arith.index_cast %get3A_790 : i32 to index
    %get3A_792 = arith.constant 176 : index
    %get3A_793 = tpu.vector_load %arg8[%get3A_791, %get3A_792] {strides = array<i32>} : memref<8x512xf32, #tpu.memory_space<vmem>>, vector<16xf32>,
    %sub3A_794 = arith.constant 2.000000e-06 : f32
    %sub3A_795 = vector.broadcast %sub3A_794 : f32 to vector<16xf32>
    %sub3A_796 = arith.subf %get3A_793, %sub3A_795 : vector<16xf32>
    %mul3A_797 = arith.mulf %get3A_793, %sub3A_796 : vector<16xf32>
    %add3A_798 = arith.addf %add3A_789, %mul3A_797 : vector<16xf32>
    %get3A_799 = arith.constant 2 : i32
    %get3A_800 = arith.index_cast %get3A_799 : i32 to index
    %get3A_801 = arith.constant 192 : index
    %get3A_802 = tpu.vector_load %arg8[%get3A_800, %get3A_801] {strides = array<i32>} : memref<8x512xf32, #tpu.memory_space<vmem>>, vector<16xf32>,
    %sub3A_803 = arith.constant 2.000000e-06 : f32
    %sub3A_804 = vector.broadcast %sub3A_803 : f32 to vector<16xf32>
    %sub3A_805 = arith.subf %get3A_802, %sub3A_804 : vector<16xf32>
    %mul3A_806 = arith.mulf %get3A_802, %sub3A_805 : vector<16xf32>
    %add3A_807 = arith.addf %add3A_798, %mul3A_806 : vector<16xf32>
    %get3A_808 = arith.constant 2 : i32
    %get3A_809 = arith.index_cast %get3A_808 : i32 to index
    %get3A_810 = arith.constant 208 : index
    %get3A_811 = tpu.vector_load %arg8[%get3A_809, %get3A_810] {strides = array<i32>} : memref<8x512xf32, #tpu.memory_space<vmem>>, vector<16xf32>,
    %sub3A_812 = arith.constant 2.000000e-06 : f32
    %sub3A_813 = vector.broadcast %sub3A_812 : f32 to vector<16xf32>
    %sub3A_814 = arith.subf %get3A_811, %sub3A_813 : vector<16xf32>
    %mul3A_815 = arith.mulf %get3A_811, %sub3A_814 : vector<16xf32>
    %add3A_816 = arith.addf %add3A_807, %mul3A_815 : vector<16xf32>
    %get3A_817 = arith.constant 2 : i32
    %get3A_818 = arith.index_cast %get3A_817 : i32 to index
    %get3A_819 = arith.constant 224 : index
    %get3A_820 = tpu.vector_load %arg8[%get3A_818, %get3A_819] {strides = array<i32>} : memref<8x512xf32, #tpu.memory_space<vmem>>, vector<16xf32>,
    %sub3A_821 = arith.constant 2.000000e-06 : f32
    %sub3A_822 = vector.broadcast %sub3A_821 : f32 to vector<16xf32>
    %sub3A_823 = arith.subf %get3A_820, %sub3A_822 : vector<16xf32>
    %mul3A_824 = arith.mulf %get3A_820, %sub3A_823 : vector<16xf32>
    %add3A_825 = arith.addf %add3A_816, %mul3A_824 : vector<16xf32>
    %get3A_826 = arith.constant 2 : i32
    %get3A_827 = arith.index_cast %get3A_826 : i32 to index
    %get3A_828 = arith.constant 240 : index
    %get3A_829 = tpu.vector_load %arg8[%get3A_827, %get3A_828] {strides = array<i32>} : memref<8x512xf32, #tpu.memory_space<vmem>>, vector<16xf32>,
    %sub3A_830 = arith.constant 2.000000e-06 : f32
    %sub3A_831 = vector.broadcast %sub3A_830 : f32 to vector<16xf32>
    %sub3A_832 = arith.subf %get3A_829, %sub3A_831 : vector<16xf32>
    %mul3A_833 = arith.mulf %get3A_829, %sub3A_832 : vector<16xf32>
    %add3A_834 = arith.addf %add3A_825, %mul3A_833 : vector<16xf32>
    %get3A_835 = arith.constant 2 : i32
    %get3A_836 = arith.index_cast %get3A_835 : i32 to index
    %get3A_837 = arith.constant 256 : index
    %get3A_838 = tpu.vector_load %arg8[%get3A_836, %get3A_837] {strides = array<i32>} : memref<8x512xf32, #tpu.memory_space<vmem>>, vector<16xf32>,
    %sub3A_839 = arith.constant 2.000000e-06 : f32
    %sub3A_840 = vector.broadcast %sub3A_839 : f32 to vector<16xf32>
    %sub3A_841 = arith.subf %get3A_838, %sub3A_840 : vector<16xf32>
    %mul3A_842 = arith.mulf %get3A_838, %sub3A_841 : vector<16xf32>
    %add3A_843 = arith.addf %add3A_834, %mul3A_842 : vector<16xf32>
    %get3A_844 = arith.constant 2 : i32
    %get3A_845 = arith.index_cast %get3A_844 : i32 to index
    %get3A_846 = arith.constant 272 : index
    %get3A_847 = tpu.vector_load %arg8[%get3A_845, %get3A_846] {strides = array<i32>} : memref<8x512xf32, #tpu.memory_space<vmem>>, vector<16xf32>,
    %sub3A_848 = arith.constant 2.000000e-06 : f32
    %sub3A_849 = vector.broadcast %sub3A_848 : f32 to vector<16xf32>
    %sub3A_850 = arith.subf %get3A_847, %sub3A_849 : vector<16xf32>
    %mul3A_851 = arith.mulf %get3A_847, %sub3A_850 : vector<16xf32>
    %add3A_852 = arith.addf %add3A_843, %mul3A_851 : vector<16xf32>
    %get3A_853 = arith.constant 2 : i32
    %get3A_854 = arith.index_cast %get3A_853 : i32 to index
    %get3A_855 = arith.constant 288 : index
    %get3A_856 = tpu.vector_load %arg8[%get3A_854, %get3A_855] {strides = array<i32>} : memref<8x512xf32, #tpu.memory_space<vmem>>, vector<16xf32>,
    %sub3A_857 = arith.constant 2.000000e-06 : f32
    %sub3A_858 = vector.broadcast %sub3A_857 : f32 to vector<16xf32>
    %sub3A_859 = arith.subf %get3A_856, %sub3A_858 : vector<16xf32>
    %mul3A_860 = arith.mulf %get3A_856, %sub3A_859 : vector<16xf32>
    %add3A_861 = arith.addf %add3A_852, %mul3A_860 : vector<16xf32>
    %get3A_862 = arith.constant 2 : i32
    %get3A_863 = arith.index_cast %get3A_862 : i32 to index
    %get3A_864 = arith.constant 304 : index
    %get3A_865 = tpu.vector_load %arg8[%get3A_863, %get3A_864] {strides = array<i32>} : memref<8x512xf32, #tpu.memory_space<vmem>>, vector<16xf32>,
    %sub3A_866 = arith.constant 2.000000e-06 : f32
    %sub3A_867 = vector.broadcast %sub3A_866 : f32 to vector<16xf32>
    %sub3A_868 = arith.subf %get3A_865, %sub3A_867 : vector<16xf32>
    %mul3A_869 = arith.mulf %get3A_865, %sub3A_868 : vector<16xf32>
    %add3A_870 = arith.addf %add3A_861, %mul3A_869 : vector<16xf32>
    %get3A_871 = arith.constant 2 : i32
    %get3A_872 = arith.index_cast %get3A_871 : i32 to index
    %get3A_873 = arith.constant 320 : index
    %get3A_874 = tpu.vector_load %arg8[%get3A_872, %get3A_873] {strides = array<i32>} : memref<8x512xf32, #tpu.memory_space<vmem>>, vector<16xf32>,
    %sub3A_875 = arith.constant 2.000000e-06 : f32
    %sub3A_876 = vector.broadcast %sub3A_875 : f32 to vector<16xf32>
    %sub3A_877 = arith.subf %get3A_874, %sub3A_876 : vector<16xf32>
    %mul3A_878 = arith.mulf %get3A_874, %sub3A_877 : vector<16xf32>
    %add3A_879 = arith.addf %add3A_870, %mul3A_878 : vector<16xf32>
    %get3A_880 = arith.constant 2 : i32
    %get3A_881 = arith.index_cast %get3A_880 : i32 to index
    %get3A_882 = arith.constant 336 : index
    %get3A_883 = tpu.vector_load %arg8[%get3A_881, %get3A_882] {strides = array<i32>} : memref<8x512xf32, #tpu.memory_space<vmem>>, vector<16xf32>,
    %sub3A_884 = arith.constant 2.000000e-06 : f32
    %sub3A_885 = vector.broadcast %sub3A_884 : f32 to vector<16xf32>
    %sub3A_886 = arith.subf %get3A_883, %sub3A_885 : vector<16xf32>
    %mul3A_887 = arith.mulf %get3A_883, %sub3A_886 : vector<16xf32>
    %add3A_888 = arith.addf %add3A_879, %mul3A_887 : vector<16xf32>
    %get3A_889 = arith.constant 2 : i32
    %get3A_890 = arith.index_cast %get3A_889 : i32 to index
    %get3A_891 = arith.constant 352 : index
    %get3A_892 = tpu.vector_load %arg8[%get3A_890, %get3A_891] {strides = array<i32>} : memref<8x512xf32, #tpu.memory_space<vmem>>, vector<16xf32>,
    %sub3A_893 = arith.constant 2.000000e-06 : f32
    %sub3A_894 = vector.broadcast %sub3A_893 : f32 to vector<16xf32>
    %sub3A_895 = arith.subf %get3A_892, %sub3A_894 : vector<16xf32>
    %mul3A_896 = arith.mulf %get3A_892, %sub3A_895 : vector<16xf32>
    %add3A_897 = arith.addf %add3A_888, %mul3A_896 : vector<16xf32>
    %get3A_898 = arith.constant 2 : i32
    %get3A_899 = arith.index_cast %get3A_898 : i32 to index
    %get3A_900 = arith.constant 368 : index
    %get3A_901 = tpu.vector_load %arg8[%get3A_899, %get3A_900] {strides = array<i32>} : memref<8x512xf32, #tpu.memory_space<vmem>>, vector<16xf32>,
    %sub3A_902 = arith.constant 2.000000e-06 : f32
    %sub3A_903 = vector.broadcast %sub3A_902 : f32 to vector<16xf32>
    %sub3A_904 = arith.subf %get3A_901, %sub3A_903 : vector<16xf32>
    %mul3A_905 = arith.mulf %get3A_901, %sub3A_904 : vector<16xf32>
    %add3A_906 = arith.addf %add3A_897, %mul3A_905 : vector<16xf32>
    %get3A_907 = arith.constant 2 : i32
    %get3A_908 = arith.index_cast %get3A_907 : i32 to index
    %get3A_909 = arith.constant 384 : index
    %get3A_910 = tpu.vector_load %arg8[%get3A_908, %get3A_909] {strides = array<i32>} : memref<8x512xf32, #tpu.memory_space<vmem>>, vector<16xf32>,
    %sub3A_911 = arith.constant 2.000000e-06 : f32
    %sub3A_912 = vector.broadcast %sub3A_911 : f32 to vector<16xf32>
    %sub3A_913 = arith.subf %get3A_910, %sub3A_912 : vector<16xf32>
    %mul3A_914 = arith.mulf %get3A_910, %sub3A_913 : vector<16xf32>
    %add3A_915 = arith.addf %add3A_906, %mul3A_914 : vector<16xf32>
    %get3A_916 = arith.constant 2 : i32
    %get3A_917 = arith.index_cast %get3A_916 : i32 to index
    %get3A_918 = arith.constant 400 : index
    %get3A_919 = tpu.vector_load %arg8[%get3A_917, %get3A_918] {strides = array<i32>} : memref<8x512xf32, #tpu.memory_space<vmem>>, vector<16xf32>,
    %sub3A_920 = arith.constant 2.000000e-06 : f32
    %sub3A_921 = vector.broadcast %sub3A_920 : f32 to vector<16xf32>
    %sub3A_922 = arith.subf %get3A_919, %sub3A_921 : vector<16xf32>
    %mul3A_923 = arith.mulf %get3A_919, %sub3A_922 : vector<16xf32>
    %add3A_924 = arith.addf %add3A_915, %mul3A_923 : vector<16xf32>
    %get3A_925 = arith.constant 2 : i32
    %get3A_926 = arith.index_cast %get3A_925 : i32 to index
    %get3A_927 = arith.constant 416 : index
    %get3A_928 = tpu.vector_load %arg8[%get3A_926, %get3A_927] {strides = array<i32>} : memref<8x512xf32, #tpu.memory_space<vmem>>, vector<16xf32>,
    %sub3A_929 = arith.constant 2.000000e-06 : f32
    %sub3A_930 = vector.broadcast %sub3A_929 : f32 to vector<16xf32>
    %sub3A_931 = arith.subf %get3A_928, %sub3A_930 : vector<16xf32>
    %mul3A_932 = arith.mulf %get3A_928, %sub3A_931 : vector<16xf32>
    %add3A_933 = arith.addf %add3A_924, %mul3A_932 : vector<16xf32>
    %get3A_934 = arith.constant 2 : i32
    %get3A_935 = arith.index_cast %get3A_934 : i32 to index
    %get3A_936 = arith.constant 432 : index
    %get3A_937 = tpu.vector_load %arg8[%get3A_935, %get3A_936] {strides = array<i32>} : memref<8x512xf32, #tpu.memory_space<vmem>>, vector<16xf32>,
    %sub3A_938 = arith.constant 2.000000e-06 : f32
    %sub3A_939 = vector.broadcast %sub3A_938 : f32 to vector<16xf32>
    %sub3A_940 = arith.subf %get3A_937, %sub3A_939 : vector<16xf32>
    %mul3A_941 = arith.mulf %get3A_937, %sub3A_940 : vector<16xf32>
    %add3A_942 = arith.addf %add3A_933, %mul3A_941 : vector<16xf32>
    %get3A_943 = arith.constant 2 : i32
    %get3A_944 = arith.index_cast %get3A_943 : i32 to index
    %get3A_945 = arith.constant 448 : index
    %get3A_946 = tpu.vector_load %arg8[%get3A_944, %get3A_945] {strides = array<i32>} : memref<8x512xf32, #tpu.memory_space<vmem>>, vector<16xf32>,
    %sub3A_947 = arith.constant 2.000000e-06 : f32
    %sub3A_948 = vector.broadcast %sub3A_947 : f32 to vector<16xf32>
    %sub3A_949 = arith.subf %get3A_946, %sub3A_948 : vector<16xf32>
    %mul3A_950 = arith.mulf %get3A_946, %sub3A_949 : vector<16xf32>
    %add3A_951 = arith.addf %add3A_942, %mul3A_950 : vector<16xf32>
    %get3A_952 = arith.constant 2 : i32
    %get3A_953 = arith.index_cast %get3A_952 : i32 to index
    %get3A_954 = arith.constant 464 : index
    %get3A_955 = tpu.vector_load %arg8[%get3A_953, %get3A_954] {strides = array<i32>} : memref<8x512xf32, #tpu.memory_space<vmem>>, vector<16xf32>,
    %sub3A_956 = arith.constant 2.000000e-06 : f32
    %sub3A_957 = vector.broadcast %sub3A_956 : f32 to vector<16xf32>
    %sub3A_958 = arith.subf %get3A_955, %sub3A_957 : vector<16xf32>
    %mul3A_959 = arith.mulf %get3A_955, %sub3A_958 : vector<16xf32>
    %add3A_960 = arith.addf %add3A_951, %mul3A_959 : vector<16xf32>
    %get3A_961 = arith.constant 2 : i32
    %get3A_962 = arith.index_cast %get3A_961 : i32 to index
    %get3A_963 = arith.constant 480 : index
    %get3A_964 = tpu.vector_load %arg8[%get3A_962, %get3A_963] {strides = array<i32>} : memref<8x512xf32, #tpu.memory_space<vmem>>, vector<16xf32>,
    %sub3A_965 = arith.constant 2.000000e-06 : f32
    %sub3A_966 = vector.broadcast %sub3A_965 : f32 to vector<16xf32>
    %sub3A_967 = arith.subf %get3A_964, %sub3A_966 : vector<16xf32>
    %mul3A_968 = arith.mulf %get3A_964, %sub3A_967 : vector<16xf32>
    %add3A_969 = arith.addf %add3A_960, %mul3A_968 : vector<16xf32>
    %get3A_970 = arith.constant 2 : i32
    %get3A_971 = arith.index_cast %get3A_970 : i32 to index
    %get3A_972 = arith.constant 496 : index
    %get3A_973 = tpu.vector_load %arg8[%get3A_971, %get3A_972] {strides = array<i32>} : memref<8x512xf32, #tpu.memory_space<vmem>>, vector<16xf32>,
    %sub3A_974 = arith.constant 2.000000e-06 : f32
    %sub3A_975 = vector.broadcast %sub3A_974 : f32 to vector<16xf32>
    %sub3A_976 = arith.subf %get3A_973, %sub3A_975 : vector<16xf32>
    %mul3A_977 = arith.mulf %get3A_973, %sub3A_976 : vector<16xf32>
    %add3A_978 = arith.addf %add3A_969, %mul3A_977 : vector<16xf32>
    %reduce_sum3A_979 = arith.constant true
    %reduce_sum3A_980 = vector.broadcast %reduce_sum3A_979 : i1 to vector<16xi1>
    %reduce_sum3A_981 = tpu.scan <sum>, %add3A_978 masked %reduce_sum3A_980 : vector<16xf32>, vector<16xi1> -> vector<16xf32>
    %reduce_sum3A_982 = vector.extract %reduce_sum3A_981[15] : f32 from vector<16xf32>
    %eq3A_983 = arith.constant 0 : i32
    %eq3A_984 = vector.broadcast %eq3A_983 : i32 to vector<16xi32>
    %eq3A_985 = arith.cmpi eq, %iota3A, %eq3A_984 : vector<16xi32>
    %eq3A_986 = arith.constant 1 : i32
    %eq3A_987 = vector.broadcast %eq3A_986 : i32 to vector<16xi32>
    %eq3A_988 = arith.cmpi eq, %iota3A, %eq3A_987 : vector<16xi32>
    %eq3A_989 = arith.constant 2 : i32
    %eq3A_990 = vector.broadcast %eq3A_989 : i32 to vector<16xi32>
    %eq3A_991 = arith.cmpi eq, %iota3A, %eq3A_990 : vector<16xi32>
    %eq3A_992 = arith.constant 3 : i32
    %eq3A_993 = vector.broadcast %eq3A_992 : i32 to vector<16xi32>
    %eq3A_994 = arith.cmpi eq, %iota3A, %eq3A_993 : vector<16xi32>
    %eq3A_995 = arith.constant 4 : i32
    %eq3A_996 = vector.broadcast %eq3A_995 : i32 to vector<16xi32>
    %eq3A_997 = arith.cmpi eq, %iota3A, %eq3A_996 : vector<16xi32>
    %eq3A_998 = arith.constant 5 : i32
    %eq3A_999 = vector.broadcast %eq3A_998 : i32 to vector<16xi32>
    %eq3A_1000 = arith.cmpi eq, %iota3A, %eq3A_999 : vector<16xi32>
    %eq3A_1001 = arith.constant 6 : i32
    %eq3A_1002 = vector.broadcast %eq3A_1001 : i32 to vector<16xi32>
    %eq3A_1003 = arith.cmpi eq, %iota3A, %eq3A_1002 : vector<16xi32>
    %jit3A_1004 = arith.constant 0.000000e+00 : f32
    %broadcast_in_dim3A_1005 = vector.broadcast %reduce_sum3A_982 : f32 to vector<16xf32>
    %broadcast_in_dim3A_1006 = vector.broadcast %jit3A_1004 : f32 to vector<16xf32>
    %select_n3A_1007 = arith.select %eq3A_1003, %broadcast_in_dim3A_1005, %broadcast_in_dim3A_1006 : vector<16xi1>, vector<16xf32>
    %broadcast_in_dim3A_1008 = vector.broadcast %reduce_sum3A_688 : f32 to vector<16xf32>
    %select_n3A_1009 = arith.select %eq3A_1000, %broadcast_in_dim3A_1008, %select_n3A_1007 : vector<16xi1>, vector<16xf32>
    %broadcast_in_dim3A_1010 = vector.broadcast %reduce_sum3A_394 : f32 to vector<16xf32>
    %select_n3A_1011 = arith.select %eq3A_997, %broadcast_in_dim3A_1010, %select_n3A_1009 : vector<16xi1>, vector<16xf32>
    %broadcast_in_dim3A_1012 = vector.broadcast %reduce_min3A_22 : f32 to vector<16xf32>
    %select_n3A_1013 = arith.select %eq3A_994, %broadcast_in_dim3A_1012, %select_n3A_1011 : vector<16xi1>, vector<16xf32>
    %broadcast_in_dim3A_1014 = vector.broadcast %reduce_sum3A_26 : f32 to vector<16xf32>
    %select_n3A_1015 = arith.select %eq3A_991, %broadcast_in_dim3A_1014, %select_n3A_1013 : vector<16xi1>, vector<16xf32>
    %broadcast_in_dim3A_1016 = vector.broadcast %reduce_min3A_17 : f32 to vector<16xf32>
    %select_n3A_1017 = arith.select %eq3A_988, %broadcast_in_dim3A_1016, %select_n3A_1015 : vector<16xi1>, vector<16xf32>
    %broadcast_in_dim3A_1018 = vector.broadcast %reduce_min3A_12 : f32 to vector<16xf32>
    %select_n3A_1019 = arith.select %eq3A_985, %broadcast_in_dim3A_1018, %select_n3A_1017 : vector<16xi1>, vector<16xf32>
    %swap3A_1020 = arith.constant 0 : index
    %swap3A_1021 = tpu.vector_load %arg9[%swap3A_1020] {strides = array<i32>} : memref<128xf32, #tpu.memory_space<vmem>>, vector<16xf32>,
    tpu.vector_store %arg9[%swap3A_1020], %select_n3A_1019 {strides = array<i32>} : memref<128xf32, #tpu.memory_space<vmem>>, vector<16xf32>,
    %broadcast_in_dim3A_1022 = arith.constant 0.000000e+00 : f32
    %broadcast_in_dim3A_1023 = vector.broadcast %broadcast_in_dim3A_1022 : f32 to vector<16xf32>
    %swap3A_1024 = arith.constant 16 : index
    %swap3A_1025 = tpu.vector_load %arg9[%swap3A_1024] {strides = array<i32>} : memref<128xf32, #tpu.memory_space<vmem>>, vector<16xf32>,
    tpu.vector_store %arg9[%swap3A_1024], %broadcast_in_dim3A_1023 {strides = array<i32>} : memref<128xf32, #tpu.memory_space<vmem>>, vector<16xf32>,
    %swap3A_1026 = arith.constant 32 : index
    %swap3A_1027 = tpu.vector_load %arg9[%swap3A_1026] {strides = array<i32>} : memref<128xf32, #tpu.memory_space<vmem>>, vector<16xf32>,
    tpu.vector_store %arg9[%swap3A_1026], %broadcast_in_dim3A_1023 {strides = array<i32>} : memref<128xf32, #tpu.memory_space<vmem>>, vector<16xf32>,
    %swap3A_1028 = arith.constant 48 : index
    %swap3A_1029 = tpu.vector_load %arg9[%swap3A_1028] {strides = array<i32>} : memref<128xf32, #tpu.memory_space<vmem>>, vector<16xf32>,
    tpu.vector_store %arg9[%swap3A_1028], %broadcast_in_dim3A_1023 {strides = array<i32>} : memref<128xf32, #tpu.memory_space<vmem>>, vector<16xf32>,
    %swap3A_1030 = arith.constant 64 : index
    %swap3A_1031 = tpu.vector_load %arg9[%swap3A_1030] {strides = array<i32>} : memref<128xf32, #tpu.memory_space<vmem>>, vector<16xf32>,
    tpu.vector_store %arg9[%swap3A_1030], %broadcast_in_dim3A_1023 {strides = array<i32>} : memref<128xf32, #tpu.memory_space<vmem>>, vector<16xf32>,
    %swap3A_1032 = arith.constant 80 : index
    %swap3A_1033 = tpu.vector_load %arg9[%swap3A_1032] {strides = array<i32>} : memref<128xf32, #tpu.memory_space<vmem>>, vector<16xf32>,
    tpu.vector_store %arg9[%swap3A_1032], %broadcast_in_dim3A_1023 {strides = array<i32>} : memref<128xf32, #tpu.memory_space<vmem>>, vector<16xf32>,
    %swap3A_1034 = arith.constant 96 : index
    %swap3A_1035 = tpu.vector_load %arg9[%swap3A_1034] {strides = array<i32>} : memref<128xf32, #tpu.memory_space<vmem>>, vector<16xf32>,
    tpu.vector_store %arg9[%swap3A_1034], %broadcast_in_dim3A_1023 {strides = array<i32>} : memref<128xf32, #tpu.memory_space<vmem>>, vector<16xf32>,
    %swap3A_1036 = arith.constant 112 : index
    %swap3A_1037 = tpu.vector_load %arg9[%swap3A_1036] {strides = array<i32>} : memref<128xf32, #tpu.memory_space<vmem>>, vector<16xf32>,
    tpu.vector_store %arg9[%swap3A_1036], %broadcast_in_dim3A_1023 {strides = array<i32>} : memref<128xf32, #tpu.memory_space<vmem>>, vector<16xf32>,
    "tpu.region"() ({
      %run_scoped3A = tpu.sem_alloc : memref<!tpu.dma_semaphore, #tpu.memory_space<semaphore_mem>>
      %dma_start3A_1077 = arith.constant 0 : i32
      %dma_start3A_1078 = tpu.memref_slice %arg5[%add3A, %dma_start3A_1077] : memref<32x128xf32, #tpu.memory_space<hbm>> -> memref<1x128xf32, #tpu.memory_space<hbm>>
      %dma_start3A_1079 = tpu.memref_squeeze %dma_start3A_1078 : memref<1x128xf32, #tpu.memory_space<hbm>> -> memref<128xf32, #tpu.memory_space<hbm>>
      %dma_start3A_1080 = arith.constant 0 : i32
      %dma_start3A_1081 = tpu.memref_slice %arg5[%add3A, %dma_start3A_1080] : memref<32x128xf32, #tpu.memory_space<hbm>> -> memref<1x128xf32, #tpu.memory_space<hbm>>
      %dma_start3A_1082 = tpu.memref_squeeze %dma_start3A_1081 : memref<1x128xf32, #tpu.memory_space<hbm>> -> memref<128xf32, #tpu.memory_space<hbm>>
      tpu.enqueue_dma source(%arg9 : memref<128xf32, #tpu.memory_space<vmem>>) target(%dma_start3A_1082 : memref<128xf32, #tpu.memory_space<hbm>>) target_semaphore(%run_scoped3A : memref<!tpu.dma_semaphore, #tpu.memory_space<semaphore_mem>>)
      %dma_wait3A_1083 = arith.constant 0 : i32
      %dma_wait3A_1084 = tpu.memref_slice %arg5[%add3A, %dma_wait3A_1083] : memref<32x128xf32, #tpu.memory_space<hbm>> -> memref<1x128xf32, #tpu.memory_space<hbm>>
      %dma_wait3A_1085 = tpu.memref_squeeze %dma_wait3A_1084 : memref<1x128xf32, #tpu.memory_space<hbm>> -> memref<128xf32, #tpu.memory_space<hbm>>
      %dma_wait3A_1086 = arith.constant 0 : i32
      %dma_wait3A_1087 = tpu.memref_slice %arg5[%add3A, %dma_wait3A_1086] : memref<32x128xf32, #tpu.memory_space<hbm>> -> memref<1x128xf32, #tpu.memory_space<hbm>>
      %dma_wait3A_1088 = tpu.memref_squeeze %dma_wait3A_1087 : memref<1x128xf32, #tpu.memory_space<hbm>> -> memref<128xf32, #tpu.memory_space<hbm>>
      tpu.wait_dma2 semaphore(%run_scoped3A : memref<!tpu.dma_semaphore, #tpu.memory_space<semaphore_mem>>) src(%arg9 : memref<128xf32, #tpu.memory_space<vmem>>) dst(%dma_wait3A_1088 : memref<128xf32, #tpu.memory_space<hbm>>)
      tpu.yield
    }) : () -> ()
    %dma_wait3A_1038 = arith.constant 0 : i32
    %dma_wait3A_1039 = arith.constant 0 : i32
    %dma_wait3A_1040 = tpu.memref_slice %arg8[%dma_wait3A_1038, %dma_wait3A_1039] : memref<8x512xf32, #tpu.memory_space<vmem>> -> memref<1x512xf32, #tpu.memory_space<vmem>>
    %dma_wait3A_1041 = tpu.memref_squeeze %dma_wait3A_1040 : memref<1x512xf32, #tpu.memory_space<vmem>> -> memref<512xf32, #tpu.memory_space<vmem>>
    %dma_wait3A_1042 = arith.constant 0 : i32
    %dma_wait3A_1043 = tpu.memref_slice %arg4[%add3A, %dma_wait3A_1042] : memref<96x512xf32, #tpu.memory_space<hbm>> -> memref<1x512xf32, #tpu.memory_space<hbm>>
    %dma_wait3A_1044 = tpu.memref_squeeze %dma_wait3A_1043 : memref<1x512xf32, #tpu.memory_space<hbm>> -> memref<512xf32, #tpu.memory_space<hbm>>
    %dma_wait3A_1045 = arith.constant 0 : i32
    %dma_wait3A_1046 = tpu.memref_slice %arg4[%add3A, %dma_wait3A_1045] : memref<96x512xf32, #tpu.memory_space<hbm>> -> memref<1x512xf32, #tpu.memory_space<hbm>>
    %dma_wait3A_1047 = tpu.memref_squeeze %dma_wait3A_1046 : memref<1x512xf32, #tpu.memory_space<hbm>> -> memref<512xf32, #tpu.memory_space<hbm>>
    %dma_wait3A_1048 = arith.constant 0 : i32
    %dma_wait3A_1049 = tpu.memref_slice %arg8[%dma_wait3A_1038, %dma_wait3A_1048] : memref<8x512xf32, #tpu.memory_space<vmem>> -> memref<1x512xf32, #tpu.memory_space<vmem>>
    %dma_wait3A_1050 = tpu.memref_squeeze %dma_wait3A_1049 : memref<1x512xf32, #tpu.memory_space<vmem>> -> memref<512xf32, #tpu.memory_space<vmem>>
    tpu.wait_dma2 semaphore(%arg11 : memref<!tpu.dma_semaphore, #tpu.memory_space<semaphore_mem>>) src(%dma_wait3A_1050 : memref<512xf32, #tpu.memory_space<vmem>>) dst(%dma_wait3A_1047 : memref<512xf32, #tpu.memory_space<hbm>>)
    %dma_wait3A_1051 = arith.constant 1 : i32
    %dma_wait3A_1052 = arith.constant 0 : i32
    %dma_wait3A_1053 = tpu.memref_slice %arg8[%dma_wait3A_1051, %dma_wait3A_1052] : memref<8x512xf32, #tpu.memory_space<vmem>> -> memref<1x512xf32, #tpu.memory_space<vmem>>
    %dma_wait3A_1054 = tpu.memref_squeeze %dma_wait3A_1053 : memref<1x512xf32, #tpu.memory_space<vmem>> -> memref<512xf32, #tpu.memory_space<vmem>>
    %dma_wait3A_1055 = arith.constant 0 : i32
    %dma_wait3A_1056 = tpu.memref_slice %arg4[%add3A_74, %dma_wait3A_1055] : memref<96x512xf32, #tpu.memory_space<hbm>> -> memref<1x512xf32, #tpu.memory_space<hbm>>
    %dma_wait3A_1057 = tpu.memref_squeeze %dma_wait3A_1056 : memref<1x512xf32, #tpu.memory_space<hbm>> -> memref<512xf32, #tpu.memory_space<hbm>>
    %dma_wait3A_1058 = arith.constant 0 : i32
    %dma_wait3A_1059 = tpu.memref_slice %arg4[%add3A_74, %dma_wait3A_1058] : memref<96x512xf32, #tpu.memory_space<hbm>> -> memref<1x512xf32, #tpu.memory_space<hbm>>
    %dma_wait3A_1060 = tpu.memref_squeeze %dma_wait3A_1059 : memref<1x512xf32, #tpu.memory_space<hbm>> -> memref<512xf32, #tpu.memory_space<hbm>>
    %dma_wait3A_1061 = arith.constant 0 : i32
    %dma_wait3A_1062 = tpu.memref_slice %arg8[%dma_wait3A_1051, %dma_wait3A_1061] : memref<8x512xf32, #tpu.memory_space<vmem>> -> memref<1x512xf32, #tpu.memory_space<vmem>>
    %dma_wait3A_1063 = tpu.memref_squeeze %dma_wait3A_1062 : memref<1x512xf32, #tpu.memory_space<vmem>> -> memref<512xf32, #tpu.memory_space<vmem>>
    tpu.wait_dma2 semaphore(%arg11 : memref<!tpu.dma_semaphore, #tpu.memory_space<semaphore_mem>>) src(%dma_wait3A_1063 : memref<512xf32, #tpu.memory_space<vmem>>) dst(%dma_wait3A_1060 : memref<512xf32, #tpu.memory_space<hbm>>)
    %dma_wait3A_1064 = arith.constant 2 : i32
    %dma_wait3A_1065 = arith.constant 0 : i32
    %dma_wait3A_1066 = tpu.memref_slice %arg8[%dma_wait3A_1064, %dma_wait3A_1065] : memref<8x512xf32, #tpu.memory_space<vmem>> -> memref<1x512xf32, #tpu.memory_space<vmem>>
    %dma_wait3A_1067 = tpu.memref_squeeze %dma_wait3A_1066 : memref<1x512xf32, #tpu.memory_space<vmem>> -> memref<512xf32, #tpu.memory_space<vmem>>
    %dma_wait3A_1068 = arith.constant 0 : i32
    %dma_wait3A_1069 = tpu.memref_slice %arg4[%add3A_89, %dma_wait3A_1068] : memref<96x512xf32, #tpu.memory_space<hbm>> -> memref<1x512xf32, #tpu.memory_space<hbm>>
    %dma_wait3A_1070 = tpu.memref_squeeze %dma_wait3A_1069 : memref<1x512xf32, #tpu.memory_space<hbm>> -> memref<512xf32, #tpu.memory_space<hbm>>
    %dma_wait3A_1071 = arith.constant 0 : i32
    %dma_wait3A_1072 = tpu.memref_slice %arg4[%add3A_89, %dma_wait3A_1071] : memref<96x512xf32, #tpu.memory_space<hbm>> -> memref<1x512xf32, #tpu.memory_space<hbm>>
    %dma_wait3A_1073 = tpu.memref_squeeze %dma_wait3A_1072 : memref<1x512xf32, #tpu.memory_space<hbm>> -> memref<512xf32, #tpu.memory_space<hbm>>
    %dma_wait3A_1074 = arith.constant 0 : i32
    %dma_wait3A_1075 = tpu.memref_slice %arg8[%dma_wait3A_1064, %dma_wait3A_1074] : memref<8x512xf32, #tpu.memory_space<vmem>> -> memref<1x512xf32, #tpu.memory_space<vmem>>
    %dma_wait3A_1076 = tpu.memref_squeeze %dma_wait3A_1075 : memref<1x512xf32, #tpu.memory_space<vmem>> -> memref<512xf32, #tpu.memory_space<vmem>>
    tpu.wait_dma2 semaphore(%arg11 : memref<!tpu.dma_semaphore, #tpu.memory_space<semaphore_mem>>) src(%dma_wait3A_1076 : memref<512xf32, #tpu.memory_space<vmem>>) dst(%dma_wait3A_1073 : memref<512xf32, #tpu.memory_space<hbm>>)
    return
  }
}

module attributes {stable_mosaic.version = 14 : i64} {
  func.func @_loss_kernel(%arg0: i32, %arg1: memref<1x4096xi32, #tpu.memory_space<vmem>>, %arg2: memref<512x512xf32, #tpu.memory_space<vmem>>, %arg3: memref<96x512xf32, #tpu.memory_space<vmem>>, %arg4: memref<32x128xf32, #tpu.memory_space<vmem>>, %arg5: memref<3xf32, #tpu.memory_space<smem>>, %arg6: memref<1x5xf32, #tpu.memory_space<vmem>>, %arg7: memref<2xf32, #tpu.memory_space<smem>>) attributes {dimension_semantics = [#tpu.dimension_semantics<arbitrary>], iteration_bounds = array<i64: 8>, scalar_prefetch = 0 : i64, scratch_operands = 1 : i64, tpu.core_type = #tpu.core_type<tc>, window_params = [{pipeline_mode = #tpu.pipeline_mode<synchronous>, transform_indices = @transform_0, window_bounds = array<i64: 1, 4096>}, {transform_indices = @transform_1, window_bounds = array<i64: 512, 512>}, {pipeline_mode = #tpu.pipeline_mode<synchronous>, transform_indices = @transform_2, window_bounds = array<i64: 96, 512>}, {pipeline_mode = #tpu.pipeline_mode<synchronous>, transform_indices = @transform_3, window_bounds = array<i64: 32, 128>}, {transform_indices = @transform_4, window_bounds = array<i64: 3>}, {pipeline_mode = #tpu.pipeline_mode<synchronous>, transform_indices = @transform_5, window_bounds = array<i64: 1, 5>}]} {
    %eq3A = arith.constant 0 : i32
    %eq3A_0 = arith.cmpi eq, %arg0, %eq3A : i32
    %convert_element_type3A = arith.extui %eq3A_0 : i1 to i32
    %cond3A = arith.constant 0 : i32
    %cond3A_1 = arith.cmpi ne, %convert_element_type3A, %cond3A : i32
    scf.if %cond3A_1 {
      %swap3A_134 = arith.constant 0.000000e+00 : f32
      %swap3A_135 = arith.constant 0 : index
      %swap3A_136 = memref.load %arg7[%swap3A_135] : memref<2xf32, #tpu.memory_space<smem>>
      memref.store %swap3A_134, %arg7[%swap3A_135] : memref<2xf32, #tpu.memory_space<smem>>
      %swap3A_137 = arith.constant 0.000000e+00 : f32
      %swap3A_138 = arith.constant 1 : index
      %swap3A_139 = memref.load %arg7[%swap3A_138] : memref<2xf32, #tpu.memory_space<smem>>
      memref.store %swap3A_137, %arg7[%swap3A_138] : memref<2xf32, #tpu.memory_space<smem>>
    } else {
    }
    %mul3A = arith.constant 512 : i32
    %mul3A_2 = arith.muli %arg0, %mul3A : i32
    %get3A = arith.constant 0 : index
    %get3A_3 = arith.index_cast %mul3A_2 : i32 to index
    %get3A_4 = vector.load %arg1[%get3A, %get3A_3] : memref<1x4096xi32, #tpu.memory_space<vmem>>, vector<1x512xi32>
    %convert_element_type3A_5 = arith.sitofp %get3A_4 : vector<1x512xi32> to vector<1x512xf32>
    %iota3A = tpu.iota {dimensions = array<i32: 0>} : vector<32x1xi32>
    %convert_element_type3A_6 = arith.sitofp %iota3A : vector<32x1xi32> to vector<32x1xf32>
    %eq3A_7 = vector.broadcast %convert_element_type3A_5 : vector<1x512xf32> to vector<32x512xf32>
    %eq3A_8 = vector.broadcast %convert_element_type3A_6 : vector<32x1xf32> to vector<32x512xf32>
    %eq3A_9 = arith.cmpf oeq, %eq3A_7, %eq3A_8 : vector<32x512xf32>
    %convert_element_type3A_10 = arith.extui %eq3A_9 : vector<32x512xi1> to vector<32x512xi32>
    %convert_element_type3A_11 = arith.sitofp %convert_element_type3A_10 : vector<32x512xi32> to vector<32x512xf32>
    %get3A_12 = arith.constant 0 : index
    %get3A_13 = arith.constant 0 : index
    %get3A_14 = vector.load %arg4[%get3A_12, %get3A_13] : memref<32x128xf32, #tpu.memory_space<vmem>>, vector<32x1xf32>
    %get3A_15 = arith.constant 0 : index
    %get3A_16 = arith.constant 2 : index
    %get3A_17 = vector.load %arg4[%get3A_15, %get3A_16] : memref<32x128xf32, #tpu.memory_space<vmem>>, vector<32x1xf32>
    %get3A_18 = arith.constant 0 : index
    %get3A_19 = arith.constant 4 : index
    %get3A_20 = vector.load %arg4[%get3A_18, %get3A_19] : memref<32x128xf32, #tpu.memory_space<vmem>>, vector<32x1xf32>
    %get3A_21 = arith.constant 0 : index
    %get3A_22 = arith.constant 5 : index
    %get3A_23 = vector.load %arg4[%get3A_21, %get3A_22] : memref<32x128xf32, #tpu.memory_space<vmem>>, vector<32x1xf32>
    %get3A_24 = arith.constant 0 : index
    %get3A_25 = arith.constant 6 : index
    %get3A_26 = vector.load %arg4[%get3A_24, %get3A_25] : memref<32x128xf32, #tpu.memory_space<vmem>>, vector<32x1xf32>
    %iota3A_27 = tpu.iota {dimensions = array<i32: 1>} : vector<1x512xi32>
    %convert_element_type3A_28 = arith.sitofp %iota3A_27 : vector<1x512xi32> to vector<1x512xf32>
    %mul3A_29 = arith.constant 512 : i32
    %mul3A_30 = arith.muli %arg0, %mul3A_29 : i32
    %convert_element_type3A_31 = arith.sitofp %mul3A_30 : i32 to f32
    %add3A = vector.broadcast %convert_element_type3A_31 : f32 to vector<1x512xf32>
    %add3A_32 = arith.addf %convert_element_type3A_28, %add3A : vector<1x512xf32>
    %eq3A_33 = vector.broadcast %get3A_14 : vector<32x1xf32> to vector<32x512xf32>
    %eq3A_34 = vector.broadcast %add3A_32 : vector<1x512xf32> to vector<32x512xf32>
    %eq3A_35 = arith.cmpf oeq, %eq3A_33, %eq3A_34 : vector<32x512xf32>
    %convert_element_type3A_36 = arith.extui %eq3A_35 : vector<32x512xi1> to vector<32x512xi32>
    %convert_element_type3A_37 = arith.sitofp %convert_element_type3A_36 : vector<32x512xi32> to vector<32x512xf32>
    %mul3A_38 = arith.mulf %convert_element_type3A_11, %convert_element_type3A_37 : vector<32x512xf32>
    %sub3A = arith.subf %convert_element_type3A_11, %mul3A_38 : vector<32x512xf32>
    %get3A_39 = arith.constant 0 : index
    %get3A_40 = arith.constant 0 : index
    %get3A_41 = vector.load %arg2[%get3A_39, %get3A_40] : memref<512x512xf32, #tpu.memory_space<vmem>>, vector<512x512xf32>
    %get3A_42 = arith.constant 0 : index
    %get3A_43 = arith.constant 0 : index
    %get3A_44 = vector.load %arg3[%get3A_42, %get3A_43] : memref<96x512xf32, #tpu.memory_space<vmem>>, vector<96x512xf32>
    %dot_general3A = arith.constant dense<0.000000e+00> : vector<96x512xf32>
    %dot_general3A_45 = tpu.matmul %get3A_44, %get3A_41, %dot_general3A {dimension_numbers = #tpu.dot_dimension_numbers<[1], [1], [0], [0], [0, 0, 1, 0], [], []>, transpose_lhs_hint = false} : vector<96x512xf32>, vector<512x512xf32>, vector<96x512xf32> -> vector<96x512xf32>
    %slice3A = vector.extract_strided_slice %dot_general3A_45 {offsets = [0, 0], sizes = [32, 512], strides = [1, 1]} : vector<96x512xf32> to vector<32x512xf32>
    %slice3A_46 = vector.extract_strided_slice %dot_general3A_45 {offsets = [32, 0], sizes = [32, 512], strides = [1, 1]} : vector<96x512xf32> to vector<32x512xf32>
    %slice3A_47 = vector.extract_strided_slice %dot_general3A_45 {offsets = [64, 0], sizes = [32, 512], strides = [1, 1]} : vector<96x512xf32> to vector<32x512xf32>
    %broadcast_in_dim3A = arith.constant 1.000000e+00 : f32
    %broadcast_in_dim3A_48 = vector.broadcast %broadcast_in_dim3A : f32 to vector<1x512xf32>
    %mul3A_49 = arith.mulf %get3A_41, %get3A_41 : vector<512x512xf32>
    %dot_general3A_50 = arith.constant dense<0.000000e+00> : vector<1x512xf32>
    %dot_general3A_51 = tpu.matmul %broadcast_in_dim3A_48, %mul3A_49, %dot_general3A_50 {dimension_numbers = #tpu.dot_dimension_numbers<[1], [1], [0], [0], [0, 0, 1, 0], [], []>, transpose_lhs_hint = false} : vector<1x512xf32>, vector<512x512xf32>, vector<1x512xf32> -> vector<1x512xf32>
    %add3A_52 = arith.constant 5.120000e-10 : f32
    %add3A_53 = vector.broadcast %add3A_52 : f32 to vector<1x512xf32>
    %add3A_54 = arith.addf %dot_general3A_51, %add3A_53 : vector<1x512xf32>
    %mul3A_55 = arith.constant 2.000000e+00 : f32
    %mul3A_56 = vector.broadcast %mul3A_55 : f32 to vector<32x512xf32>
    %mul3A_57 = arith.mulf %mul3A_56, %slice3A : vector<32x512xf32>
    %sub3A_58 = vector.broadcast %get3A_20 : vector<32x1xf32> to vector<32x512xf32>
    %sub3A_59 = arith.subf %sub3A_58, %mul3A_57 : vector<32x512xf32>
    %mul3A_60 = arith.mulf %sub3A, %sub3A_59 : vector<32x512xf32>
    %mul3A_61 = arith.constant 2.000000e+00 : f32
    %mul3A_62 = vector.broadcast %mul3A_61 : f32 to vector<32x512xf32>
    %mul3A_63 = arith.mulf %mul3A_62, %slice3A_46 : vector<32x512xf32>
    %sub3A_64 = vector.broadcast %get3A_23 : vector<32x1xf32> to vector<32x512xf32>
    %sub3A_65 = arith.subf %sub3A_64, %mul3A_63 : vector<32x512xf32>
    %mul3A_66 = arith.mulf %mul3A_38, %sub3A_65 : vector<32x512xf32>
    %add3A_67 = arith.addf %mul3A_60, %mul3A_66 : vector<32x512xf32>
    %reduce_sum3A = arith.constant dense<0.000000e+00> : vector<512xf32>
    %reduce_sum3A_68 = vector.multi_reduction <add>, %add3A_67, %reduce_sum3A [0] : vector<32x512xf32> to vector<512xf32>
    %broadcast_in_dim3A_69 = vector.shape_cast %reduce_sum3A_68 : vector<512xf32> to vector<1x512xf32>
    %mul3A_70 = arith.constant 2.000000e+00 : f32
    %mul3A_71 = vector.broadcast %mul3A_70 : f32 to vector<32x512xf32>
    %mul3A_72 = arith.mulf %mul3A_71, %slice3A_47 : vector<32x512xf32>
    %sub3A_73 = vector.broadcast %get3A_26 : vector<32x1xf32> to vector<32x512xf32>
    %sub3A_74 = arith.subf %sub3A_73, %mul3A_72 : vector<32x512xf32>
    %mul3A_75 = arith.mulf %convert_element_type3A_11, %sub3A_74 : vector<32x512xf32>
    %reduce_sum3A_76 = arith.constant dense<0.000000e+00> : vector<512xf32>
    %reduce_sum3A_77 = vector.multi_reduction <add>, %mul3A_75, %reduce_sum3A_76 [0] : vector<32x512xf32> to vector<512xf32>
    %broadcast_in_dim3A_78 = vector.shape_cast %reduce_sum3A_77 : vector<512xf32> to vector<1x512xf32>
    %add3A_79 = arith.addf %add3A_54, %broadcast_in_dim3A_69 : vector<1x512xf32>
    %max3A = arith.constant 0.000000e+00 : f32
    %max3A_80 = vector.broadcast %max3A : f32 to vector<1x512xf32>
    %max3A_81 = arith.maximumf %add3A_79, %max3A_80 : vector<1x512xf32>
    %sqrt3A = math.sqrt %max3A_81 : vector<1x512xf32>
    %add3A_82 = arith.addf %add3A_54, %broadcast_in_dim3A_78 : vector<1x512xf32>
    %max3A_83 = arith.constant 0.000000e+00 : f32
    %max3A_84 = vector.broadcast %max3A_83 : f32 to vector<1x512xf32>
    %max3A_85 = arith.maximumf %add3A_82, %max3A_84 : vector<1x512xf32>
    %sqrt3A_86 = math.sqrt %max3A_85 : vector<1x512xf32>
    %sub3A_87 = arith.subf %broadcast_in_dim3A_69, %broadcast_in_dim3A_78 : vector<1x512xf32>
    %add3A_88 = arith.addf %sqrt3A, %sqrt3A_86 : vector<1x512xf32>
    %max3A_89 = arith.constant 9.99999968E-21 : f32
    %max3A_90 = vector.broadcast %max3A_89 : f32 to vector<1x512xf32>
    %max3A_91 = arith.maximumf %add3A_88, %max3A_90 : vector<1x512xf32>
    %div3A = arith.divf %sub3A_87, %max3A_91 : vector<1x512xf32>
    %add3A_92 = arith.constant 3.000000e-01 : f32
    %add3A_93 = vector.broadcast %add3A_92 : f32 to vector<1x512xf32>
    %add3A_94 = arith.addf %div3A, %add3A_93 : vector<1x512xf32>
    %max3A_95 = arith.constant 0.000000e+00 : f32
    %max3A_96 = vector.broadcast %max3A_95 : f32 to vector<1x512xf32>
    %max3A_97 = arith.maximumf %add3A_94, %max3A_96 : vector<1x512xf32>
    %ge3A = arith.constant 2.000000e+00 : f32
    %ge3A_98 = vector.broadcast %ge3A : f32 to vector<32x1xf32>
    %ge3A_99 = arith.cmpf oge, %get3A_17, %ge3A_98 : vector<32x1xf32>
    %lt3A = arith.constant 4.096000e+03 : f32
    %lt3A_100 = vector.broadcast %lt3A : f32 to vector<32x1xf32>
    %lt3A_101 = arith.cmpf olt, %get3A_17, %lt3A_100 : vector<32x1xf32>
    %and3A = arith.andi %ge3A_99, %lt3A_101 : vector<32x1xi1>
    %convert_element_type3A_102 = arith.extui %and3A : vector<32x1xi1> to vector<32x1xi32>
    %convert_element_type3A_103 = arith.sitofp %convert_element_type3A_102 : vector<32x1xi32> to vector<32x1xf32>
    %mul3A_104 = vector.broadcast %convert_element_type3A_103 : vector<32x1xf32> to vector<32x512xf32>
    %mul3A_105 = arith.mulf %convert_element_type3A_11, %mul3A_104 : vector<32x512xf32>
    %reduce_sum3A_106 = arith.constant dense<0.000000e+00> : vector<512xf32>
    %reduce_sum3A_107 = vector.multi_reduction <add>, %mul3A_105, %reduce_sum3A_106 [0] : vector<32x512xf32> to vector<512xf32>
    %broadcast_in_dim3A_108 = vector.shape_cast %reduce_sum3A_107 : vector<512xf32> to vector<1x512xf32>
    %get3A_109 = arith.constant 0 : index
    %get3A_110 = memref.load %arg7[%get3A_109] : memref<2xf32, #tpu.memory_space<smem>>
    %mul3A_111 = arith.mulf %max3A_97, %broadcast_in_dim3A_108 : vector<1x512xf32>
    %reduce_sum3A_112 = vector.shape_cast %mul3A_111 : vector<1x512xf32> to vector<1x1x512xf32>
    %reduce_sum3A_113 = arith.constant dense<0.000000e+00> : vector<1xf32>
    %reduce_sum3A_114 = vector.multi_reduction <add>, %reduce_sum3A_112, %reduce_sum3A_113 [1, 2] : vector<1x1x512xf32> to vector<1xf32>
    %reduce_sum3A_115 = vector.shape_cast %reduce_sum3A_114 : vector<1xf32> to vector<1x1x1xf32>
    %reduce_sum3A_116 = vector.extract %reduce_sum3A_115[0, 0, 0] : f32 from vector<1x1x1xf32>
    %add3A_117 = arith.addf %get3A_110, %reduce_sum3A_116 : f32
    %swap3A = arith.constant 0 : index
    %swap3A_118 = memref.load %arg7[%swap3A] : memref<2xf32, #tpu.memory_space<smem>>
    memref.store %add3A_117, %arg7[%swap3A] : memref<2xf32, #tpu.memory_space<smem>>
    %get3A_119 = arith.constant 1 : index
    %get3A_120 = memref.load %arg7[%get3A_119] : memref<2xf32, #tpu.memory_space<smem>>
    %reduce_sum3A_121 = vector.shape_cast %broadcast_in_dim3A_108 : vector<1x512xf32> to vector<1x1x512xf32>
    %reduce_sum3A_122 = arith.constant dense<0.000000e+00> : vector<1xf32>
    %reduce_sum3A_123 = vector.multi_reduction <add>, %reduce_sum3A_121, %reduce_sum3A_122 [1, 2] : vector<1x1x512xf32> to vector<1xf32>
    %reduce_sum3A_124 = vector.shape_cast %reduce_sum3A_123 : vector<1xf32> to vector<1x1x1xf32>
    %reduce_sum3A_125 = vector.extract %reduce_sum3A_124[0, 0, 0] : f32 from vector<1x1x1xf32>
    %add3A_126 = arith.addf %get3A_120, %reduce_sum3A_125 : f32
    %swap3A_127 = arith.constant 1 : index
    %swap3A_128 = memref.load %arg7[%swap3A_127] : memref<2xf32, #tpu.memory_space<smem>>
    memref.store %add3A_126, %arg7[%swap3A_127] : memref<2xf32, #tpu.memory_space<smem>>
    %eq3A_129 = arith.constant 7 : i32
    %eq3A_130 = arith.cmpi eq, %arg0, %eq3A_129 : i32
    %convert_element_type3A_131 = arith.extui %eq3A_130 : i1 to i32
    %cond3A_132 = arith.constant 0 : i32
    %cond3A_133 = arith.cmpi ne, %convert_element_type3A_131, %cond3A_132 : i32
    scf.if %cond3A_133 {
      %get3A_134 = arith.constant 0 : index
      %get3A_135 = memref.load %arg7[%get3A_134] : memref<2xf32, #tpu.memory_space<smem>>
      %get3A_136 = arith.constant 1 : index
      %get3A_137 = memref.load %arg7[%get3A_136] : memref<2xf32, #tpu.memory_space<smem>>
      %max3A_138 = arith.constant 1.000000e+00 : f32
      %max3A_139 = arith.maximumf %get3A_137, %max3A_138 : f32
      %div3A_140 = arith.divf %get3A_135, %max3A_139 : f32
      %get3A_141 = arith.constant 0 : index
      %get3A_142 = memref.load %arg5[%get3A_141] : memref<3xf32, #tpu.memory_space<smem>>
      %get3A_143 = arith.constant 1 : index
      %get3A_144 = memref.load %arg5[%get3A_143] : memref<3xf32, #tpu.memory_space<smem>>
      %get3A_145 = arith.constant 2 : index
      %get3A_146 = memref.load %arg5[%get3A_145] : memref<3xf32, #tpu.memory_space<smem>>
      %mul3A_147 = arith.constant 5.000000e-01 : f32
      %mul3A_148 = arith.mulf %mul3A_147, %get3A_142 : f32
      %mul3A_149 = arith.constant 1.000000e-01 : f32
      %mul3A_150 = arith.mulf %mul3A_149, %get3A_144 : f32
      %add3A_151 = arith.addf %mul3A_148, %mul3A_150 : f32
      %mul3A_152 = arith.constant 2.000000e-01 : f32
      %mul3A_153 = arith.mulf %mul3A_152, %get3A_146 : f32
      %add3A_154 = arith.addf %add3A_151, %mul3A_153 : f32
      %mul3A_155 = arith.constant 2.000000e-01 : f32
      %mul3A_156 = arith.mulf %mul3A_155, %div3A_140 : f32
      %add3A_157 = arith.addf %add3A_154, %mul3A_156 : f32
      %iota3A_158 = tpu.iota {dimensions = array<i32: 1>} : vector<1x5xi32>
      %eq3A_159 = arith.constant 0 : i32
      %eq3A_160 = vector.broadcast %eq3A_159 : i32 to vector<1x5xi32>
      %eq3A_161 = arith.cmpi eq, %iota3A_158, %eq3A_160 : vector<1x5xi32>
      %eq3A_162 = arith.constant 1 : i32
      %eq3A_163 = vector.broadcast %eq3A_162 : i32 to vector<1x5xi32>
      %eq3A_164 = arith.cmpi eq, %iota3A_158, %eq3A_163 : vector<1x5xi32>
      %eq3A_165 = arith.constant 2 : i32
      %eq3A_166 = vector.broadcast %eq3A_165 : i32 to vector<1x5xi32>
      %eq3A_167 = arith.cmpi eq, %iota3A_158, %eq3A_166 : vector<1x5xi32>
      %eq3A_168 = arith.constant 3 : i32
      %eq3A_169 = vector.broadcast %eq3A_168 : i32 to vector<1x5xi32>
      %eq3A_170 = arith.cmpi eq, %iota3A_158, %eq3A_169 : vector<1x5xi32>
      %eq3A_171 = arith.constant 4 : i32
      %eq3A_172 = vector.broadcast %eq3A_171 : i32 to vector<1x5xi32>
      %eq3A_173 = arith.cmpi eq, %iota3A_158, %eq3A_172 : vector<1x5xi32>
      %jit3A = arith.constant 0.000000e+00 : f32
      %broadcast_in_dim3A_174 = vector.broadcast %div3A_140 : f32 to vector<1x5xf32>
      %broadcast_in_dim3A_175 = vector.broadcast %jit3A : f32 to vector<1x5xf32>
      %select_n3A = arith.select %eq3A_173, %broadcast_in_dim3A_174, %broadcast_in_dim3A_175 : vector<1x5xi1>, vector<1x5xf32>
      %broadcast_in_dim3A_176 = vector.broadcast %get3A_146 : f32 to vector<1x5xf32>
      %select_n3A_177 = arith.select %eq3A_170, %broadcast_in_dim3A_176, %select_n3A : vector<1x5xi1>, vector<1x5xf32>
      %broadcast_in_dim3A_178 = vector.broadcast %get3A_144 : f32 to vector<1x5xf32>
      %select_n3A_179 = arith.select %eq3A_167, %broadcast_in_dim3A_178, %select_n3A_177 : vector<1x5xi1>, vector<1x5xf32>
      %broadcast_in_dim3A_180 = vector.broadcast %get3A_142 : f32 to vector<1x5xf32>
      %select_n3A_181 = arith.select %eq3A_164, %broadcast_in_dim3A_180, %select_n3A_179 : vector<1x5xi1>, vector<1x5xf32>
      %broadcast_in_dim3A_182 = vector.broadcast %add3A_157 : f32 to vector<1x5xf32>
      %select_n3A_183 = arith.select %eq3A_161, %broadcast_in_dim3A_182, %select_n3A_181 : vector<1x5xi1>, vector<1x5xf32>
      %swap3A_184 = arith.constant 0 : index
      %swap3A_185 = arith.constant 0 : index
      %swap3A_186 = vector.load %arg6[%swap3A_184, %swap3A_185] : memref<1x5xf32, #tpu.memory_space<vmem>>, vector<1x5xf32>
      tpu.vector_store %arg6[%swap3A_184, %swap3A_185], %select_n3A_183 {strides = array<i32>} : memref<1x5xf32, #tpu.memory_space<vmem>>, vector<1x5xf32>,
    } else {
    }
    return
  }
  func.func @transform_0(%arg0: i32) -> (i32, i32) {
    %c0_i32 = arith.constant 0 : i32
    %c0_i32_0 = arith.constant 0 : i32
    %c0_i32_1 = arith.constant 0 : i32
    return %c0_i32, %c0_i32_0 : i32, i32
  }
  func.func @transform_1(%arg0: i32) -> (i32, i32) {
    %c0_i32 = arith.constant 0 : i32
    %c0_i32_0 = arith.constant 0 : i32
    return %arg0, %c0_i32 : i32, i32
  }
  func.func @transform_2(%arg0: i32) -> (i32, i32) {
    %c0_i32 = arith.constant 0 : i32
    %c0_i32_0 = arith.constant 0 : i32
    %c0_i32_1 = arith.constant 0 : i32
    return %c0_i32, %c0_i32_0 : i32, i32
  }
  func.func @transform_3(%arg0: i32) -> (i32, i32) {
    %c0_i32 = arith.constant 0 : i32
    %c0_i32_0 = arith.constant 0 : i32
    %c0_i32_1 = arith.constant 0 : i32
    return %c0_i32, %c0_i32_0 : i32, i32
  }
  func.func @transform_4(%arg0: i32) -> i32 {
    %c0_i32 = arith.constant 0 : i32
    %c0_i32_0 = arith.constant 0 : i32
    return %c0_i32 : i32
  }
  func.func @transform_5(%arg0: i32) -> (i32, i32) {
    %c0_i32 = arith.constant 0 : i32
    %c0_i32_0 = arith.constant 0 : i32
    %c0_i32_1 = arith.constant 0 : i32
    return %c0_i32, %c0_i32_0 : i32, i32
  }
}

</mosaic_0001>

<sc_bundles>
// kernel: kernel.4.cloned.1.call-start
scs
__scs_entry_jumppad:
0x0: {  	(pc) =	sbr.rel $0x88, $3  }
0x1: {  	(tag) =	ssettag $0x0;
	lr =	simm.s32 $0x1  }
0x2: {  	[smem:$0x3F9C] =	sst lr;
	_ =	strace $0xD0000000  }
0x3: {  	_ = 	snop  }
0x4: {  	_ = 	snop  }
0x5: {  	_ = 	snop  }
0x6: {  	_ = 	snop  }
0x7: {  	_ = 	snop  }
__scs_overlays_trampoline_lowered:
0x8: {  	[smem:$0x3FAB] =	sst s0  }
0x9: {  	[smem:$0x3FAC] =	sst s1  }
0xa: {  	[smem:$0x3FAD] =	sst s2  }
0xb: {  	[smem:$0x3FAE] =	sst s3  }
0xc: {  	[smem:$0x3FAF] =	sst s4  }
0xd: {  	[smem:$0x3FB0] =	sst s5  }
0xe: {  	[smem:$0x3FB1] =	sst s6  }
0xf: {  	[smem:$0x3FB2] =	sst s7  }
0x10: {  	[smem:$0x3FB3] =	sst s8  }
0x11: {  	[smem:$0x3FB4] =	sst s9;
	s0 =	simm.s32 @!p0 $0x0  }
0x12: {  	s1 =	sld [smem:$0x3F9A];
	s0 =	simm.s32 @p0 $0x1  }
0x13: {  	[smem:$0x3FB5] =	sst s0;
	s0 =	simm.s32 @!p1 $0x0  }
0x14: {  	s2 =	sld [smem:$0x3F99];
	s0 =	simm.s32 @p1 $0x1  }
0x15: {  	[smem:$0x3FB6] =	sst s0;
	s0 =	simm.s32 @!p2 $0x0  }
0x16: {  	s3 =	sld [smem:$0x3FDB];
	s0 =	simm.s32 @p2 $0x1  }
0x17: {  	s4 =	simm.s32 $0x1BF5;
	[smem:$0x3FB8] =	sst s0  }
0x18: {  	s0 =	sld [smem:$0x3F9B];
	_ =	swait.ge [sflag:s4], $0x0  }
0x19: {  	s7 =	sld [smem:$0x3F9C]  }
0x1a: {  	s8 =	sadd.s32 $0xFFFFE003, lr  }
0x1b: {  	s9 =	sadd.s32 $0xFFFFFEF7, lr;
	s5 =	simm.s32 $0xFFFFFFFF;
	p2 =	slt.u32 s8, $0xFFFFF086  }
0x1c: {  	p1 =	slt.u32 s9, $0xF7A;
	s5 =	simm.s32 @!p2 $0x0  }
0x1d: {  	s5 =	simm.s32 @p1 $0x1;
	p0 =	seq.s32 s7, s2  }
0x1e: {  	s7 =	smul.u32 @!p0 $0xF7A, s2;
	p2 =	seq.s32 @!p0 s5, $0x0  }
0x1f: {  	s9 =	smul.u32 $0xF7A, s1;
	s8 =	simm.s32 @!p0 $0x1BF5;
	p2 =	por !p2, p0  }
0x20: {  	[sflag:s8] =	ssyncset.s32 @!p0 $0xFFFFF086;
	s6 =	sadd.s32 @!p0 s3, s7;
	s7 =	simm.s32 @!p0 $0x108  }
0x21: {  	s3 =	sadd.s32 s3, s9;
	s6 =	sadd.s32 @!p0 $0x88, s6;
	s7 =	simm.s32 @p2 $0x1082  }
0x22: {  	[simem:s7], [sflag:s8] =	dma.local @!p0 [hbm:s6], $0xF7A  }
0x23: {  	s9 =	sor.u32 $0xD0000000, s2;
	s6 =	simm.s32 $0x108;
	_ =	swait.ge @!p0 [sflag:s8], $0x0  }
0x24: {  	s3 =	sadd.s32 $0x88, s3;
	s6 =	simm.s32 @!p1 $0x1082;
	[sflag:s4] =	ssyncset.s32 $0xFFFFF086  }
0x25: {  	[simem:s6], [sflag:s4] =	dma.local [hbm:s3], $0xF7A  }
0x26: {  	[smem:$0x3F9C] =	sst s1;
	(tag) =	ssettag s2;
	_ =	strace s9  }
0x27: {  	s1 =	sld [smem:$0x3FAC]  }
0x28: {  	s2 =	sld [smem:$0x3FAD]  }
0x29: {  	s4 =	sld [smem:$0x3FAF]  }
0x2a: {  	p0 =	seq.s32 s5, $0x0;
	s5 =	sld [smem:$0x3FB0]  }
0x2b: {  	s6 =	sld [smem:$0x3FB1]  }
0x2c: {  	s7 =	sld [smem:$0x3FB2]  }
0x2d: {  	s3 =	simm.s32 $0x108;
	s8 =	sld [smem:$0x3FB3]  }
0x2e: {  	s3 =	simm.s32 @!p0 $0x1082;
	s9 =	sld [smem:$0x3FB4]  }
0x2f: {  	lr =	sadd.s32 s0, s3;
	s0 =	sld [smem:$0x3FAB]  }
0x30: {  	s3 =	sld [smem:$0x3FAE]  }
0x31: {  	[smem:$0x3FB7] =	sst s10  }
0x32: {  	s10 =	sld [smem:$0x3FB5];
	_ =	sdelay $0x3  }
0x33: {  	p0 =	seq.s32 s10, $0x1;
	s10 =	sld [smem:$0x3FB7];
	_ =	sdelay $0x3  }
0x34: {  	[smem:$0x3FB7] =	sst s10  }
0x35: {  	s10 =	sld [smem:$0x3FB6];
	_ =	sdelay $0x3  }
0x36: {  	p1 =	seq.s32 s10, $0x1;
	s10 =	sld [smem:$0x3FB7];
	_ =	sdelay $0x3  }
0x37: {  	[smem:$0x3FB7] =	sst s10  }
0x38: {  	s10 =	sld [smem:$0x3FB8]  }
0x39: {  	_ = 	snop;
	(pc) =	sbr.ind lr, $3  }
0x3a: {  	_ = 	snop  }
0x3b: {  	_ = 	snop  }
0x3c: {  	p2 =	seq.s32 s10, $0x1;
	s10 =	sld [smem:$0x3FB7]  }
0x3d: {  	_ =	shalt  }
0x3e: {  	_ =	shalt  }
0x3f: {  	_ =	shalt  }
0x40: {  	_ =	shalt  }
0x41: {  	_ =	shalt  }
0x42: {  	_ =	shalt  }
0x43: {  	_ =	shalt  }
0x44: {  	_ =	shalt  }
0x45: {  	_ =	shalt  }
0x46: {  	_ =	shalt  }
0x47: {  	_ =	shalt  }
0x48: {  	_ =	shalt  }
0x49: {  	_ =	shalt  }
0x4a: {  	_ =	shalt  }
0x4b: {  	_ =	shalt  }
0x4c: {  	_ =	shalt  }
0x4d: {  	_ =	shalt  }
0x4e: {  	_ =	shalt  }
0x4f: {  	_ =	shalt  }
0x50: {  	_ =	shalt  }
0x51: {  	_ =	shalt  }
0x52: {  	_ =	shalt  }
0x53: {  	_ =	shalt  }
0x54: {  	_ =	shalt  }
0x55: {  	_ =	shalt  }
0x56: {  	_ =	shalt  }
0x57: {  	_ =	shalt  }
0x58: {  	_ =	shalt  }
0x59: {  	_ =	shalt  }
0x5a: {  	_ =	shalt  }
0x5b: {  	_ =	shalt  }
0x5c: {  	_ =	shalt  }
0x5d: {  	_ =	shalt  }
0x5e: {  	_ =	shalt  }
0x5f: {  	_ =	shalt  }
0x60: {  	_ =	shalt  }
0x61: {  	_ =	shalt  }
0x62: {  	_ =	shalt  }
0x63: {  	_ =	shalt  }
0x64: {  	_ =	shalt  }
0x65: {  	_ =	shalt  }
0x66: {  	_ =	shalt  }
0x67: {  	_ =	shalt  }
0x68: {  	_ =	shalt  }
0x69: {  	_ =	shalt  }
0x6a: {  	_ =	shalt  }
0x6b: {  	_ =	shalt  }
0x6c: {  	_ =	shalt  }
0x6d: {  	_ =	shalt  }
0x6e: {  	_ =	shalt  }
0x6f: {  	_ =	shalt  }
0x70: {  	_ =	shalt  }
0x71: {  	_ =	shalt  }
0x72: {  	_ =	shalt  }
0x73: {  	_ =	shalt  }
0x74: {  	_ =	shalt  }
0x75: {  	_ =	shalt  }
0x76: {  	_ =	shalt  }
0x77: {  	_ =	shalt  }
0x78: {  	_ =	shalt  }
0x79: {  	_ =	shalt  }
0x7a: {  	_ =	shalt  }
0x7b: {  	_ =	shalt  }
0x7c: {  	_ =	shalt  }
0x7d: {  	_ =	shalt  }
0x7e: {  	_ =	shalt  }
0x7f: {  	_ =	shalt  }
0x80: {  	_ =	shalt  }
0x81: {  	_ =	shalt  }
0x82: {  	_ =	shalt  }
0x83: {  	_ =	shalt  }
0x84: {  	_ =	shalt  }
0x85: {  	_ =	shalt  }
0x86: {  	_ =	shalt  }
0x87: {  	_ =	shalt  }
.Lfunc_end0:
.L_simem_size_0:
called_computation_lowered:
.L_overlay_start_0:
0x88: {  	s2 =	sld [smem:$0x3FD9]  }
0x89: {  	s3 =	sld [smem:$0x3FFE];
	_ =	sdelay $0x1  }
0x8a: {  	s1 =	srdreg.scid  }
0x8b: {  	s0 =	sand.u32 $0x1, s1  }
0x8c: {  	s17 =	sshll.u32 s0, $0xA;
	s2 =	sadd.s32 s3, s2  }
0x8d: {  	s2 =	sadd.s32 s2, s17  }
0x8e: {  	[smem:$0x3FC3] =	sst s2  }
0x8f: {  	_ = 	snop  }
0x90: {  	s2 =	sld [smem:$0x3FC9]  }
0x91: {  	s18 =	sld [smem:$0x3FC5];
	(tm) =	ssettm $0x1  }
0x92: {  	s4 =	sld [smem:$0x3FFB];
	_ =	sdelay $0x3  }
0x93: {  	_ =	strace s4  }
0x94: {  	s4 =	sld [smem:$0x3FFC];
	_ =	sdelay $0x3  }
0x95: {  	_ =	strace s4  }
0x96: {  	s4 =	sld [smem:$0x3FFD];
	_ =	sdelay $0x3  }
0x97: {  	_ =	strace s4  }
0x98: {  	_ =	strace $0x8FFFFFFF  }
0x99: {  	s19 =	sld [smem:$0x3FDB];
	_ =	sdelay $0x1  }
0x9a: {  	s5 =	simm.s32 $_scs_section_size  }
0x9b: {  	s6 =	simm.s32 $_size__tile_overlayer_lowered;
	s7 =	simm.s32 $_tile_overlayer_lowered  }
0x9c: {  	s22 =	simm.s32 $0x1BFF;
	s21 =	sshll.u32 s7, $0x1;
	s4 =	sadd.s32 s5, s19  }
0x9d: {  	s8 =	simm.s32 $0x0;
	s20 =	sshll.u32 s6, $0x1;
	s6 =	sadd.s32 s21, s4  }
0x9e: {  	[timem:s8], [sflag:s22] =	dma.local [hbm:s6], s20  }
0x9f: {  	_ =	swait.ge [sflag:s22], s20  }
0xa0: {  	s5 =	ssub.s32 $0x0, s20;
	[sflag:s22] =	ssyncset.done $0x0  }
0xa1: {  	[sflag:s22] =	ssyncadd.s32 s5;
	_ =	sdelay $0x1  }
0xa2: {  	s23 =	simm.s32 $0x1B8B  }
0xa3: {  	_ =	swait.ge [sflag:s23], $0x1  }
0xa4: {  	[sflag:s23] =	ssyncset.done $0x0  }
0xa5: {  	s25 =	simm.s32 $0x1B8E;
	s24 =	sld [smem:$0x3FFE];
	[sflag:s23] =	ssyncadd.s32 $0xFFFFFFFF  }
0xa6: {  	s26 =	simm.s32 $execute0_lowered;
	[smem:$0x3FD2] =	sst s25  }
0xa7: {  	s6 =	sshll.u32 s26, $0x1;
	_ =	strace $0x80000046;
	[dreg:$0x1] =	wrdreg $0xFFFFFFFF  }
0xa8: {  	s28 =	simm.s32 $_size_execute0_lowered;
	s4 =	sadd.s32 s4, s6;
	[dreg:$0x0] =	wrdreg $0x0  }
0xa9: {  	s6 =	sshll.u32 s28, $0x1;
	[dreg:$0x2] =	wrdreg s4  }
0xaa: {  	[dreg:$0x3] =	wrdreg s6  }
0xab: {  	[dreg:$0x4] =	wrdreg $0xC0  }
0xac: {  	_ =	task [dreg:s8], $0x5FFFF  }
0xad: {  	[dreg:$0x1] =	wrdreg $0xFFFFFFFF  }
0xae: {  	[dreg:$0x0] =	wrdreg $0x60  }
0xaf: {  	[dreg:$0x2] =	wrdreg s18  }
0xb0: {  	[dreg:$0x3] =	wrdreg s2  }
0xb1: {  	[dreg:$0x4] =	wrdreg s24  }
0xb2: {  	[dreg:$0x5] =	wrdreg $0x9  }
0xb3: {  	_ =	task.clear_ibuf [dreg:s8], $0x6FFFF;
	_ =	strace $0x90000046  }
0xb4: {  	s29 =	simm.s32 $0x9;
	_ =	strace $0x80000048  }
0xb5: {  	_ =	swait.ge [sflag:s29], $0x1  }
0xb6: {  	[sflag:s29] =	ssyncadd.s32 $0xFFFFFFFF  }
0xb7: {  	_ =	strace $0x90000048  }
0xb8: {  	_ =	sfence  }
0xb9: {  	s30 =	sld [smem:$0x0];
	_ =	sdelay $0x2  }
0xba: {  	s31 =	sshll.u32 s1, $0xD;
	s1 =	sshrl.u32 s1, $0x2  }
0xbb: {  	s3 =	sand.u32 $0x4000, s31;
	s1 =	sadd.s32 s1, s30  }
0xbc: {  	s0 =	sor.u32 s3, s0;
	s1 =	sshll.u32 s1, $0x11  }
0xbd: {  	s0 =	sor.u32 s1, s0  }
0xbe: {  	s0 =	sadd.s32 $0x8F2B, s0  }
0xbf: {  	[sflag:s0] =	ssyncadd.remote.s32 $0x1  }
0xc0: {  	_ =	sfence.sel $0xFFFF  }
0xc1: {  	[dreg:$0x0] =	wrdreg $0xFFFFFFFF;
	(pc) =	sbr.abs _section_cstart, $3  }
0xc2: {  	[dreg:$0x1] =	wrdreg $0xFFFFFFFF  }
0xc3: {  	_ =	task.clear_ibuf [dreg:s8], $0x2FFFF;
	_ =	strace $0x9FFFFFFF  }
0xc4: {  	(tm) =	ssettm $0x7FFFFFFF  }
0xc5: {  	_ =	shalt  }
tec
execute0_lowered:
.L_overlay_start_1:
0x0: {  	(tag) =	ssettag $0x1  }
0x1: {  	s2 =	srdreg.scid;
	s1 =	rddreg [dreg:$0x1]  }
0x2: {  	s0 =	stileid.u32;
	s5 =	rddreg [dreg:$0x2];
	s12 =	simm.s32 $0x1080  }
0x3: {  	s13 =	simm.s32 $0x1880;
	s16 =	simm.s32 $0x1480;
	s17 =	simm.s32 $0x1C80  }
0x4: {  	s18 =	simm.s32 $0x1100;
	s19 =	simm.s32 $0x1500;
	s20 =	simm.s32 $0x1900  }
0x5: {  	s21 =	simm.s32 $0x1D00;
	s22 =	simm.s32 $0x1180;
	s23 =	simm.s32 $0x1580  }
0x6: {  	s24 =	simm.s32 $0x1980;
	s25 =	simm.s32 $0x1D80;
	s28 =	simm.s32 $0x2  }
0x7: {  	s29 =	simm.s32 $0x0;
	s2 =	sand.u32 $0x1, s2;
	s4 =	sshll.u32 s0, $0x1  }
0x8: {  	s6 =	sshrl.u32 s0, $0x2;
	s10 =	sshll.u32 s0, $0xA;
	s11 =	sadd.s32 $0x1000, s5  }
0x9: {  	s14 =	sor.u32 s2, s4;
	s4 =	simm.s32 $0x0;
	s9 =	sshll.u32 s6, $0xA  }
0xa: {  	s2 =	ssub.s32 $0x2, s2;
	s6 =	sshll.u32 s6, $0xC;
	s7 =	sshll.u32 s14, $0x7  }
0xb: {  	[smem:$0x7FF] =	sst s4;
	s30 =	sshrl.u32 s2, $0x1;
	v0 =	vmov s14;
	s14 =	simm.s32 $0x1  }
0xc: {  	s8 =	sand.u32 $0x380, s7;
	_ =	strace $0x80000047;
	s26 =	sor.u32 s10, s7  }
0xd: {  	s2 =	ssub.s32 s2, s30;
	s9 =	sor.u32 s9, s8;
	s6 =	sor.u32 s6, s8  }
0xe: {  	s10 =	smax.u32 s2, $0x1;
	s9 =	sshrl.u32 s9, $0x3;
	s6 =	sshrl.u32 s6, $0x3  }
0xf: {  	v1 =	vlaneseq.u32;
	v2 =	vimm.s32 $0x0;
	s9 =	sadd.s32 s9, s5;
	s5 =	sand.u32 $0x3380, s26;
	s6 =	sadd.s32 s11, s6  }
0x10: {  	vm0 =	vmmov $0xffff;
	vm4 =	vcmask $0x1B18;
	v3 =	vimm.f32 $0.0e+00;
	s26 =	simm.s32 $0x2080;
	s5 =	sshrl.u32 s5, $0x3;
	s9 =	sadd.s32 $0x2800, s9  }
0x11: {  	vm5 =	vcmask $0x3F18;
	vm6 =	vcmask $0x3F14;
	vm7 =	vcmask $0x3F10;
	s15 =	sadd.s32 $0x80, s6;
	s31 =	sadd.s32 s5, s11;
	s5 =	sadd.s32 $0x100, s1  }
0x12: {  	vm8 =	vcmask $0x3F0C;
	vm9 =	vcmask $0x3F08;
	vm10 =	vcmask $0x3F04;
	s11 =	simm.s32 $0x3;
	s7 =	sadd.s32 $0x800, s31;
	s8 =	sadd.s32 $0x1000, s31  }
.LBB2_1:
0x13: {  	s0 =	rddreg [dreg:$0x0]  }
0x14: {  	[tilespmem:s4], [sflag:$0x3] =	stream.linear.gather [hbm4b:s0+s4], $0x1000, $0x38;
	[tilespmem:$0x2100] =	vst v63  }
0x15: {  	_ =	swait.ge [sflag:s11], $0x1000  }
0x16: {  	[sflag:s11] =	ssyncset.done $0x0  }
0x17: {  	s2 =	simm.s32 $0x40;
	[sflag:s11] =	ssyncadd.s32 $0xFFFFF000  }
0x18: {  	v4 =	vld [tilespmem:s2+$0xFFFFFFE0]  }
0x19: {  	v5 =	vld [tilespmem:s2+$0x30]  }
0x1a: {  	v6 =	vld [tilespmem:s2+$0x10]  }
0x1b: {  	v11 =	vld [tilespmem:s2+$0xFFFFFFF0]  }
0x1c: {  	v13 =	vld [tilespmem:s2+$0xFFFFFFC0]  }
0x1d: {  	s30 =	simm.s32 $0x10;
	v15 =	vld [tilespmem:s2+$0x0]  }
0x1e: {  	v9 =	vimm.s32 $0x100000;
	s31 =	simm.s32 $0x30;
	s1 =	simm.s32 $0x60;
	v10 =	vor.u32 s30, v1;
	s30 =	simm.s32 $0x0  }
0x1f: {  	v12 =	vor.u32 s31, v1;
	v18 =	vor.u32 s1, v1;
	v14 =	vor.u32 s30, v1;
	s30 =	simm.s32 $0x50;
	v8 =	vld [tilespmem:s2+$0x20]  }
0x20: {  	s3 =	simm.s32 $0x70;
	vm12 =	veq.s32 v4, v0;
	v4 =	vor.u32 s30, v1;
	vm11 =	veq.s32 v5, v0  }
0x21: {  	v16 =	vld [tilespmem:s2+$0xFFFFFFD0];
	v5 =	vor.u32 s3, v1;
	vm14 =	veq.s32 v6, v0;
	vm13 =	veq.s32 v11, v0  }
0x22: {  	s30 =	simm.s32 $0x20;
	vm15 =	veq.s32 v13, v0;
	vm2 =	veq.s32 v15, v0;
	v6 =	vnsel vm11, $0x100000, v5  }
0x23: {  	v5 =	vsel vm11, $0x100000, v5;
	v17 =	vor.u32 s30, v1;
	v7 =	vsel vm11, $0x1, v2  }
0x24: {  	s3 =	simm.s32 $0x40;
	vm11 =	veq.s32 v8, v0;
	v8 =	vnsel vm14, $0x100000, v4;
	v11 =	vsel vm14, $0x1, v2  }
0x25: {  	v13 =	vnsel vm15, $0x100000, v14;
	v20 =	vnsel vm13, $0x100000, v12;
	v21 =	vor.u32 s3, v1  }
0x26: {  	v4 =	vsel vm14, $0x100000, v4;
	vm14 =	veq.s32 v16, v0;
	v14 =	vsel vm15, $0x100000, v14  }
0x27: {  	v24 =	vsel vm15, $0x1, v2;
	v26 =	vsel vm12, $0x1, v2;
	v27 =	vsel vm13, $0x1, v2  }
0x28: {  	v28 =	vsel vm2, $0x1, v2;
	v12 =	vsel vm13, $0x100000, v12;
	v19 =	vnsel vm12, $0x100000, v17  }
0x29: {  	vm1 =	vgt.s32 v9, v13;
	v15 =	vnsel vm2, $0x100000, v21;
	v60 =	vnsel vm11, $0x100000, v18  }
0x2a: {  	v22 =	vsel vm14, $0x1, v2;
	v17 =	vsel vm12, $0x100000, v17;
	vm15 =	vlt.s32 v9, v14  }
0x2b: {  	v25 =	vnsel vm14, $0x100000, v10;
	v23 =	vsel vm1, v9, v13;
	v13 =	vsel vm1, v13, v9  }
0x2c: {  	v14 =	vsel vm15, v9, v14;
	vm1 =	vlt.s32 v9, v23;
	vm12 =	vgt.s32 v13, v25  }
0x2d: {  	v9 =	vsel vm1, v9, v23;
	v61 =	vsel vm12, v25, v13;
	v13 =	vsel vm12, v13, v25  }
0x2e: {  	v21 =	vsel vm2, $0x100000, v21;
	vm1 =	vlt.s32 v9, v13;
	vm2 =	vgt.s32 v61, v19  }
0x2f: {  	v9 =	vsel vm1, v9, v13;
	v13 =	vsel vm2, v19, v61;
	v19 =	vsel vm2, v61, v19  }
0x30: {  	v10 =	vsel vm14, $0x100000, v10;
	vm1 =	vlt.s32 v9, v19;
	vm2 =	vgt.s32 v13, v20  }
0x31: {  	v9 =	vsel vm1, v9, v19;
	v62 =	vsel vm2, v20, v13;
	v13 =	vsel vm2, v13, v20  }
0x32: {  	vm1 =	vlt.s32 v14, v10;
	vm2 =	vlt.s32 v9, v13;
	vm12 =	vgt.s32 v62, v15  }
0x33: {  	v9 =	vsel vm2, v9, v13;
	v13 =	vsel vm12, v15, v62;
	v15 =	vsel vm12, v62, v15  }
0x34: {  	v14 =	vsel vm1, v14, v10;
	vm1 =	vlt.s32 v9, v15;
	vm2 =	vgt.s32 v13, v8  }
0x35: {  	v10 =	vadd.s32 v24, v2;
	v15 =	vsel vm1, v9, v15;
	v9 =	vsel vm2, v8, v13  }
0x36: {  	vm1 =	vlt.s32 v14, v17;
	v63 =	vsel vm2, v13, v8;
	v8 =	vadd.s32 v22, v10  }
0x37: {  	vm2 =	vgt.s32 v9, v60;
	v14 =	vsel vm1, v14, v17;
	v8 =	vadd.s32 v26, v8  }
0x38: {  	v13 =	vsel vm2, v60, v9;
	v10 =	vsel vm2, v9, v60;
	vm2 =	vlt.s32 v14, v12  }
0x39: {  	v8 =	vadd.s32 v27, v8;
	vm1 =	vgt.s32 v13, v6;
	v12 =	vsel vm2, v14, v12  }
0x3a: {  	v8 =	vadd.s32 v28, v8;
	vm2 =	vlt.s32 v15, v63;
	v9 =	vsel vm1, v13, v6  }
0x3b: {  	v6 =	vsel vm1, v6, v13;
	vm1 =	vlt.s32 v12, v21;
	v8 =	vadd.s32 v11, v8  }
0x3c: {  	s31 =	simm.s32 $0xF0;
	s30 =	simm.s32 $0xC0;
	v11 =	vsel vm11, $0x100000, v18;
	v13 =	vsel vm1, v12, v21;
	v12 =	vsel vm2, v15, v63  }
.LBB2_2:
0x3d: {  	s0 =	sadd.s32 $0xFFFFFFA0, s31  }
0x3e: {  	v14 =	vld [tilespmem:s30+$0xFFFFFFE0];
	s1 =	sadd.s32 $0xFFFFFFC0, s31;
	vm1 =	vlt.s32 v13, v4;
	vm2 =	vlt.s32 v12, v10;
	v15 =	vsel vm11, $0x1, v2;
	s3 =	smov.u32 s31;
	s2 =	sadd.s32 $0x80, s31  }
0x3f: {  	p0 =	sne.s32 s31, $0xFF0;
	v16 =	vor.u32 s0, v1;
	v17 =	vor.u32 s1, v1;
	v18 =	vld [tilespmem:s30+$0x30];
	v4 =	vsel vm1, v13, v4  }
0x40: {  	v10 =	vsel vm2, v12, v10;
	v8 =	vadd.s32 v15, v8;
	v13 =	vld [tilespmem:s30+$0x10];
	vm1 =	vlt.s32 v4, v11  }
0x41: {  	v8 =	vadd.s32 v7, v8;
	v12 =	vld [tilespmem:s30+$0x20];
	v4 =	vsel vm1, v4, v11;
	vm1 =	vlt.s32 v10, v9  }
0x42: {  	s0 =	sadd.s32 $0xFFFFFF90, s3;
	v11 =	vld [tilespmem:s30+$0xFFFFFFF0];
	v9 =	vsel vm1, v10, v9;
	vm1 =	vlt.s32 v4, v5  }
0x43: {  	v15 =	vor.u32 s0, v1;
	s0 =	sadd.s32 $0xFFFFFFE0, s3;
	v10 =	vld [tilespmem:s30+$0xFFFFFFC0];
	vm12 =	veq.s32 v14, v0;
	v14 =	vsel vm1, v4, v5  }
0x44: {  	v4 =	vor.u32 s0, v1;
	s0 =	sadd.s32 $0xFFFFFFF0, s3;
	v5 =	vor.u32 s3, v1;
	vm1 =	veq.s32 v18, v0  }
0x45: {  	s1 =	sadd.s32 $0xFFFFFFB0, s3;
	v18 =	vld [tilespmem:s30+$0x0];
	vm2 =	veq.s32 v13, v0;
	v13 =	vnsel vm1, $0x100000, v5;
	v5 =	vsel vm1, $0x100000, v5  }
0x46: {  	v20 =	vor.u32 s1, v1;
	v21 =	vor.u32 s0, v1;
	v7 =	vsel vm1, $0x1, v2;
	v19 =	vld [tilespmem:s30+$0xFFFFFFD0]  }
0x47: {  	v22 =	vnsel vm12, $0x100000, v20;
	vm11 =	veq.s32 v12, v0;
	vm13 =	veq.s32 v11, v0  }
0x48: {  	s0 =	sadd.s32 $0xFFFFFFD0, s3;
	v11 =	vsel vm2, $0x1, v2;
	vm1 =	veq.s32 v10, v0;
	v10 =	vnsel vm2, $0x100000, v4  }
0x49: {  	v24 =	vor.u32 s0, v1;
	v23 =	vnsel vm13, $0x100000, v17;
	v12 =	vnsel vm1, $0x100000, v15  }
0x4a: {  	v4 =	vsel vm2, $0x100000, v4;
	vm15 =	vgt.s32 v6, v12;
	vm3 =	veq.s32 v18, v0  }
0x4b: {  	vm14 =	veq.s32 v19, v0;
	v18 =	vnsel vm3, $0x100000, v24;
	v19 =	vnsel vm11, $0x100000, v21  }
0x4c: {  	v15 =	vsel vm1, $0x100000, v15;
	v24 =	vsel vm3, $0x100000, v24;
	v25 =	vsel vm14, $0x1, v2  }
0x4d: {  	v20 =	vsel vm12, $0x100000, v20;
	v27 =	vsel vm1, $0x1, v2;
	v26 =	vsel vm15, v6, v12  }
0x4e: {  	vm2 =	vlt.s32 v14, v15;
	v6 =	vsel vm15, v12, v6;
	vm1 =	vlt.s32 v9, v26  }
0x4f: {  	v28 =	vsel vm12, $0x1, v2;
	v29 =	vsel vm13, $0x1, v2;
	v12 =	vnsel vm14, $0x100000, v16  }
0x50: {  	v14 =	vsel vm2, v14, v15;
	v15 =	vsel vm3, $0x1, v2;
	vm2 =	vgt.s32 v6, v12  }
0x51: {  	v9 =	vsel vm1, v9, v26;
	v26 =	vsel vm2, v12, v6;
	v6 =	vsel vm2, v6, v12  }
0x52: {  	v12 =	vsel vm13, $0x100000, v17;
	vm1 =	vlt.s32 v9, v6;
	vm2 =	vgt.s32 v26, v22  }
0x53: {  	v6 =	vsel vm1, v9, v6;
	v9 =	vsel vm2, v22, v26;
	v17 =	vsel vm2, v26, v22  }
0x54: {  	v16 =	vsel vm14, $0x100000, v16;
	vm1 =	vlt.s32 v6, v17;
	vm2 =	vgt.s32 v9, v23  }
0x55: {  	v6 =	vsel vm1, v6, v17;
	v17 =	vsel vm2, v23, v9;
	v9 =	vsel vm2, v9, v23  }
0x56: {  	vm1 =	vlt.s32 v14, v16;
	vm2 =	vlt.s32 v6, v9;
	vm3 =	vgt.s32 v17, v18  }
0x57: {  	v6 =	vsel vm2, v6, v9;
	v9 =	vsel vm3, v18, v17;
	v17 =	vsel vm3, v17, v18  }
0x58: {  	v14 =	vsel vm1, v14, v16;
	vm1 =	vlt.s32 v6, v17;
	vm2 =	vgt.s32 v9, v10  }
0x59: {  	v8 =	vadd.s32 v27, v8;
	v16 =	vsel vm1, v6, v17;
	v6 =	vsel vm2, v10, v9  }
0x5a: {  	vm1 =	vlt.s32 v14, v20;
	v17 =	vsel vm2, v9, v10;
	vm2 =	vgt.s32 v6, v19  }
0x5b: {  	v8 =	vadd.s32 v25, v8;
	v18 =	vsel vm2, v19, v6;
	v10 =	vsel vm2, v6, v19  }
.Ltmp0:
0x5c: {  	v8 =	vadd.s32 v28, v8;
	v6 =	vsel vm1, v14, v20;
	vm1 =	vgt.s32 v18, v13;
	(pc) =	sbr.rel @p0 .LBB2_2-.Ltmp0, $4  }
0x5d: {  	v8 =	vadd.s32 v29, v8;
	vm2 =	vlt.s32 v6, v12;
	v9 =	vsel vm1, v18, v13  }
0x5e: {  	v8 =	vadd.s32 v15, v8;
	v12 =	vsel vm2, v6, v12;
	v6 =	vsel vm1, v13, v18  }
0x5f: {  	v8 =	vadd.s32 v11, v8;
	vm2 =	vlt.s32 v16, v17;
	vm1 =	vlt.s32 v12, v24  }
0x60: {  	s31 =	smov.u32 s2;
	s30 =	sadd.s32 $0x80, s30;
	v11 =	vsel vm11, $0x100000, v21;
	v13 =	vsel vm1, v12, v24;
	v12 =	vsel vm2, v16, v17  }
0x61: {  	v6 =	vcvt.s32.f32 v6;
	_ =	sdelay $0x1  }
0x62: {  	(xrf0) =	vmin.scan.msk.f32 $0xffff, v6;
	_ =	sdelay $0x3  }
0x63: {  	vm1 =	vlt.s32 v13, v4;
	vm2 =	vlt.s32 v12, v10  }
0x64: {  	v4 =	vsel vm1, v13, v4;
	v10 =	vsel vm2, v12, v10  }
0x65: {  	vm1 =	vlt.s32 v4, v11;
	vm2 =	vlt.s32 v10, v9;
	v55, _, _ =	vpop (xrf0)  }
0x66: {  	v11 =	vsel vm1, v4, v11;
	v9 =	vsel vm2, v10, v9;
	v4 =	vbroadcast v55, $0xF  }
0x67: {  	vm1 =	vlt.s32 v11, v5;
	v9 =	vcvt.s32.f32 v9  }
0x68: {  	v5 =	vsel vm1, v11, v5;
	vm1 =	veq.f32 v4, v6  }
0x69: {  	v5 =	vcvt.s32.f32 v5;
	v6 =	vsel vm1, v9, v6  }
0x6a: {  	(xrf0) =	vmin.scan.msk.f32 $0xffff, v6  }
0x6b: {  	(xrf0) =	vmin.scan.msk.f32 $0xffff, v5;
	_ =	sdelay $0x3  }
0x6c: {  	(v2sf) =	vpush v55, $0xF  }
0x6d: {  	v5, _, _ =	vpop (xrf0)  }
0x6e: {  	(v2sf) =	vpush v5, $0xF;
	v6, _, _ =	vpop (xrf0)  }
0x6f: {  	(v2sf) =	vpush v6, $0xF;
	_ =	sdelay $0xb  }
0x70: {  	s0 =	spop (v2sf)  }
0x71: {  	s0 =	smin.f32 s0, $4.095000000e+03  }
0x72: {  	s0 =	scvt.f32.s32 s0;
	s1 =	spop (v2sf)  }
0x73: {  	s2 =	spop (v2sf);
	s1 =	smin.f32 s1, $4.095000000e+03  }
0x74: {  	vm1 =	vcmask $0x300;
	v56 =	vmov s0;
	s30 =	scvt.f32.s32 s1;
	s31 =	smin.f32 s2, $4.095000000e+03  }
0x75: {  	v9 =	vnsel vm1, $0x0, v56;
	vm1 =	vcmask $0x704;
	s1 =	scvt.f32.s32 s31  }
0x76: {  	v9 =	vsel vm1, s30, v9;
	vm1 =	vcmask $0xB08  }
0x77: {  	v9 =	vsel vm1, s1, v9  }
0x78: {  	[tilespmem:$0x1000] =	vst v9  }
0x79: {  	v9 =	vld.msk [tilespmem:$0x1000], $0xff;
	_ =	sdelay $0x4  }
0x7a: {  	v57 =	vshll.u32 v9, $0x2  }
0x7b: {  	v9 =	vand.u32 $0x7, v9;
	v10 =	vand.u32 $0xFFFFFFE0, v57  }
0x7c: {  	v58 =	vand.u32 $0x7, v1;
	v59 =	vshrl.u32 v1, $0x3;
	v9 =	vor.u32 v9, v10  }
0x7d: {  	v60 =	vmul.u32 $0x8, v59;
	v9 =	vperm.xlane v9, v58;
	_ =	sdelay $0x1  }
0x7e: {  	v9 =	vadd.s32 v60, v9;
	_ =	sdelay $0x3  }
0x7f: {  	s2 =	rddreg [dreg:$0x1]  }
0x80: {  	[tilespmem:s12], [sflag:$0x1] =	stream.indirect_vreg.gather [hbm4b:s2+s4], $0x80, v9, vm0, $0xb8;
	[tilespmem:$0x2100] =	vst v63  }
0x81: {  	_ = 	snop  }
0x82: {  	[tilespmem:s13], [sflag:$0x1] =	stream.indirect_vreg.gather [hbm4b:s5+s4], $0x80, v9, vm0, $0xb8;
	[tilespmem:$0x2100] =	vst v63  }
0x83: {  	_ =	swait.ge [sflag:s14], $0x1000  }
0x84: {  	[sflag:s14] =	ssyncset.done $0x0  }
0x85: {  	[sflag:s14] =	ssyncadd.s32 $0xFFFFF000  }
0x86: {  	[hbm4b:s6+s4] =	stream.linear.scatter [tilespmem:s12], [sflag:$0x2], $0x80, $0x38;
	[tilespmem:$0x2100] =	vst v63  }
0x87: {  	_ = 	snop  }
0x88: {  	[hbm4b:s15+s4] =	stream.linear.scatter [tilespmem:s16], [sflag:$0x2], $0x80, $0x38;
	[tilespmem:$0x2100] =	vst v63  }
0x89: {  	s3 =	sadd.s32 $0x100, s6  }
0x8a: {  	[hbm4b:s3+s4] =	stream.linear.scatter [tilespmem:s13], [sflag:$0x2], $0x80, $0x38;
	[tilespmem:$0x2100] =	vst v63  }
0x8b: {  	s30 =	sadd.s32 $0x180, s6  }
0x8c: {  	[hbm4b:s30+s4] =	stream.linear.scatter [tilespmem:s17], [sflag:$0x2], $0x80, $0x38;
	[tilespmem:$0x2100] =	vst v63  }
0x8d: {  	_ = 	snop  }
0x8e: {  	[hbm4b:s7+s4] =	stream.linear.scatter [tilespmem:s18], [sflag:$0x2], $0x80, $0x38;
	[tilespmem:$0x2100] =	vst v63  }
0x8f: {  	s31 =	sadd.s32 $0x80, s7  }
0x90: {  	[hbm4b:s31+s4] =	stream.linear.scatter [tilespmem:s19], [sflag:$0x2], $0x80, $0x38;
	[tilespmem:$0x2100] =	vst v63  }
0x91: {  	s1 =	sadd.s32 $0x100, s7  }
0x92: {  	[hbm4b:s1+s4] =	stream.linear.scatter [tilespmem:s20], [sflag:$0x2], $0x80, $0x38;
	[tilespmem:$0x2100] =	vst v63  }
0x93: {  	s2 =	sadd.s32 $0x180, s7  }
0x94: {  	[hbm4b:s2+s4] =	stream.linear.scatter [tilespmem:s21], [sflag:$0x2], $0x80, $0x38;
	[tilespmem:$0x2100] =	vst v63  }
0x95: {  	_ = 	snop  }
0x96: {  	[hbm4b:s8+s4] =	stream.linear.scatter [tilespmem:s22], [sflag:$0x2], $0x80, $0x38;
	[tilespmem:$0x2100] =	vst v63  }
0x97: {  	s3 =	sadd.s32 $0x80, s8  }
0x98: {  	[hbm4b:s3+s4] =	stream.linear.scatter [tilespmem:s23], [sflag:$0x2], $0x80, $0x38;
	[tilespmem:$0x2100] =	vst v63  }
0x99: {  	s30 =	sadd.s32 $0x100, s8  }
0x9a: {  	[hbm4b:s30+s4] =	stream.linear.scatter [tilespmem:s24], [sflag:$0x2], $0x80, $0x38;
	[tilespmem:$0x2100] =	vst v63  }
0x9b: {  	s31 =	sadd.s32 $0x180, s8  }
0x9c: {  	[hbm4b:s31+s4] =	stream.linear.scatter [tilespmem:s25], [sflag:$0x2], $0x80, $0x38;
	[tilespmem:$0x2100] =	vst v63  }
0x9d: {  	v61 =	vld [tilespmem:$0x1080];
	_ =	sdelay $0x1  }
0x9e: {  	v62 =	vld [tilespmem:$0x1090];
	_ =	sdelay $0x1  }
0x9f: {  	v63 =	vld [tilespmem:$0x10A0]  }
0xa0: {  	v18 =	vadd.f32 $-1.999999990e-06, v61  }
0xa1: {  	v19 =	vld [tilespmem:$0x10B0]  }
0xa2: {  	v20 =	vadd.f32 $-1.999999990e-06, v62;
	v9 =	vmul.f32 v18, v61  }
0xa3: {  	v14 =	vld [tilespmem:$0x10C0]  }
0xa4: {  	v21 =	vadd.f32 $-1.999999990e-06, v63;
	v10 =	vmul.f32 v20, v62;
	v9 =	vadd.f32 $0.0e+00, v9  }
0xa5: {  	v15 =	vld [tilespmem:$0x10D0]  }
0xa6: {  	v23 =	vadd.f32 $-1.999999990e-06, v19;
	v22 =	vmul.f32 v21, v63;
	v9 =	vadd.f32 v10, v9  }
0xa7: {  	v24 =	vld [tilespmem:$0x10E0]  }
0xa8: {  	v26 =	vadd.f32 $-1.999999990e-06, v14;
	v25 =	vmul.f32 v23, v19;
	v9 =	vadd.f32 v22, v9  }
0xa9: {  	v27 =	vld [tilespmem:$0x10F0]  }
0xaa: {  	v29 =	vadd.f32 $-1.999999990e-06, v15;
	v28 =	vmul.f32 v26, v14;
	v9 =	vadd.f32 v25, v9  }
0xab: {  	v30 =	vld [tilespmem:$0x1480]  }
0xac: {  	v32 =	vadd.f32 $-1.999999990e-06, v24;
	v31 =	vmul.f32 v29, v15;
	v9 =	vadd.f32 v28, v9  }
0xad: {  	v33 =	vld [tilespmem:$0x1490]  }
0xae: {  	v35 =	vadd.f32 $-1.999999990e-06, v27;
	v34 =	vmul.f32 v32, v24;
	v9 =	vadd.f32 v31, v9  }
0xaf: {  	v36 =	vld [tilespmem:$0x14A0]  }
0xb0: {  	v38 =	vadd.f32 $-1.999999990e-06, v30;
	v37 =	vmul.f32 v35, v27;
	v9 =	vadd.f32 v34, v9  }
0xb1: {  	v39 =	vld [tilespmem:$0x14B0]  }
0xb2: {  	v41 =	vadd.f32 $-1.999999990e-06, v33;
	v40 =	vmul.f32 v38, v30;
	v9 =	vadd.f32 v37, v9  }
0xb3: {  	v42 =	vld [tilespmem:$0x14C0]  }
0xb4: {  	v44 =	vadd.f32 $-1.999999990e-06, v36;
	v43 =	vmul.f32 v41, v33;
	v9 =	vadd.f32 v40, v9  }
0xb5: {  	v45 =	vld [tilespmem:$0x14D0]  }
0xb6: {  	v47 =	vadd.f32 $-1.999999990e-06, v39;
	v46 =	vmul.f32 v44, v36;
	v9 =	vadd.f32 v43, v9  }
0xb7: {  	v48 =	vld [tilespmem:$0x14E0]  }
0xb8: {  	v50 =	vadd.f32 $-1.999999990e-06, v42;
	v49 =	vmul.f32 v47, v39;
	v9 =	vadd.f32 v46, v9  }
0xb9: {  	v51 =	vld [tilespmem:$0x14F0]  }
0xba: {  	v53 =	vadd.f32 $-1.999999990e-06, v45;
	v52 =	vmul.f32 v50, v42;
	v9 =	vadd.f32 v49, v9  }
0xbb: {  	v54 =	vld [tilespmem:$0x1880]  }
0xbc: {  	v57 =	vld [tilespmem:$0x1890];
	v56 =	vadd.f32 $-1.999999990e-06, v48;
	v55 =	vmul.f32 v53, v45;
	v9 =	vadd.f32 v52, v9  }
0xbd: {  	v60 =	vld [tilespmem:$0x18A0]  }
0xbe: {  	v16 =	vld [tilespmem:$0x1100];
	v59 =	vadd.f32 $-1.999999990e-06, v51;
	v58 =	vmul.f32 v56, v48;
	v9 =	vadd.f32 v55, v9  }
0xbf: {  	v63 =	vld [tilespmem:$0x18B0]  }
0xc0: {  	v61 =	vmul.f32 v59, v51;
	v62 =	vadd.f32 $-1.999999990e-06, v54;
	v20 =	vld [tilespmem:$0x18C0];
	v9 =	vadd.f32 v58, v9  }
0xc1: {  	v23 =	vld [tilespmem:$0x18D0]  }
0xc2: {  	v19 =	vadd.f32 $-1.999999990e-06, v57;
	v26 =	vld [tilespmem:$0x18E0];
	v18 =	vmul.f32 v62, v54;
	v9 =	vadd.f32 v61, v9  }
0xc3: {  	v29 =	vld [tilespmem:$0x18F0]  }
0xc4: {  	v32 =	vld [tilespmem:$0x1C80];
	v21 =	vmul.f32 v19, v57;
	v22 =	vadd.f32 $-1.999999990e-06, v60;
	v9 =	vadd.f32 v18, v9  }
0xc5: {  	v35 =	vld [tilespmem:$0x1C90]  }
0xc6: {  	v53 =	vld [tilespmem:$0x1CF0];
	v24 =	vmul.f32 v22, v60;
	v25 =	vadd.f32 $-1.999999990e-06, v63;
	v9 =	vadd.f32 v21, v9  }
0xc7: {  	v59 =	vld [tilespmem:$0x1190]  }
0xc8: {  	v27 =	vmul.f32 v25, v63;
	v28 =	vadd.f32 $-1.999999990e-06, v20;
	v63 =	vld [tilespmem:$0x11A0];
	v9 =	vadd.f32 v24, v9  }
0xc9: {  	v38 =	vld [tilespmem:$0x1CA0]  }
0xca: {  	v41 =	vld [tilespmem:$0x1CB0];
	v30 =	vmul.f32 v28, v20;
	v31 =	vadd.f32 $-1.999999990e-06, v23;
	v9 =	vadd.f32 v27, v9  }
0xcb: {  	v62 =	vadd.f32 $-1.999999990e-06, v16;
	v19 =	vadd.f32 $-1.999999990e-06, v53;
	v60 =	vld [tilespmem:$0x1120]  }
0xcc: {  	v22 =	vld [tilespmem:$0x1150];
	v33 =	vmul.f32 v31, v23;
	v34 =	vadd.f32 $-1.999999990e-06, v26;
	v9 =	vadd.f32 v30, v9  }
0xcd: {  	v17 =	vsel vm11, $0x1, v2;
	v56 =	vld [tilespmem:$0x1180];
	v28 =	vadd.f32 $-1.999999990e-06, v59;
	v31 =	vadd.f32 $-1.999999990e-06, v63  }
0xce: {  	v36 =	vmul.f32 v34, v26;
	v37 =	vadd.f32 $-1.999999990e-06, v29;
	v34 =	vld [tilespmem:$0x11D0];
	v9 =	vadd.f32 v33, v9  }
0xcf: {  	v8 =	vadd.s32 v17, v8;
	v44 =	vld [tilespmem:$0x1CC0];
	v40 =	vadd.f32 $-1.999999990e-06, v32;
	v43 =	vadd.f32 $-1.999999990e-06, v35  }
0xd0: {  	v39 =	vmul.f32 v37, v29;
	v29 =	vadd.f32 $-1.999999990e-06, v60;
	v18 =	vld [tilespmem:$0x1110];
	v9 =	vadd.f32 v36, v9  }
0xd1: {  	v47 =	vld [tilespmem:$0x1CD0];
	v45 =	vmul.f32 v43, v35;
	v46 =	vadd.f32 $-1.999999990e-06, v38;
	v43 =	vadd.f32 $-1.999999990e-06, v22  }
0xd2: {  	v42 =	vmul.f32 v40, v32;
	v49 =	vadd.f32 $-1.999999990e-06, v41;
	v9 =	vadd.f32 v39, v9  }
0xd3: {  	v50 =	vld [tilespmem:$0x1CE0];
	v48 =	vmul.f32 v46, v38;
	v46 =	vadd.f32 $-1.999999990e-06, v34;
	v21 =	vadd.f32 $-1.999999990e-06, v56  }
0xd4: {  	v15 =	vmul.f32 v28, v59;
	v52 =	vadd.f32 $-1.999999990e-06, v44;
	v9 =	vadd.f32 v42, v9  }
0xd5: {  	v20 =	vld [tilespmem:$0x1130];
	v24 =	vmul.f32 v62, v16;
	v14 =	vmul.f32 v21, v56;
	v25 =	vadd.f32 $-1.999999990e-06, v18  }
0xd6: {  	v26 =	vld [tilespmem:$0x11B0];
	v12 =	vmul.f32 v31, v63;
	v55 =	vadd.f32 $-1.999999990e-06, v47;
	v9 =	vadd.f32 v45, v9  }
0xd7: {  	v10 =	vadd.f32 $0.0e+00, v24;
	v14 =	vadd.f32 $0.0e+00, v14;
	v11 =	vmul.f32 v25, v18  }
0xd8: {  	v51 =	vmul.f32 v49, v41;
	v58 =	vadd.f32 $-1.999999990e-06, v50;
	v27 =	vld [tilespmem:$0x1140];
	v9 =	vadd.f32 v48, v9  }
0xd9: {  	v32 =	vmul.f32 v29, v60;
	v30 =	vld [tilespmem:$0x11C0];
	v14 =	vadd.f32 v15, v14;
	v10 =	vadd.f32 v11, v10  }
0xda: {  	v54 =	vmul.f32 v52, v44;
	v33 =	vadd.f32 $-1.999999990e-06, v20;
	v9 =	vadd.f32 v51, v9  }
0xdb: {  	v7 =	vadd.s32 v7, v8;
	v12 =	vadd.f32 v12, v14;
	v36 =	vadd.f32 $-1.999999990e-06, v26  }
0xdc: {  	v35 =	vld [tilespmem:$0x1160];
	v57 =	vmul.f32 v55, v47;
	v10 =	vadd.f32 v32, v10;
	v9 =	vadd.f32 v54, v9  }
0xdd: {  	v38 =	vadd.f32 $-1.999999990e-06, v27;
	v37 =	vmul.f32 v33, v20;
	v39 =	vld [tilespmem:$0x11E0];
	v16 =	vmul.f32 v36, v26  }
0xde: {  	v40 =	vld [tilespmem:$0x1170];
	v61 =	vmul.f32 v58, v50;
	v41 =	vadd.f32 $-1.999999990e-06, v30;
	v9 =	vadd.f32 v57, v9  }
0xdf: {  	v44 =	vld [tilespmem:$0x11F0];
	v10 =	vadd.f32 v37, v10;
	v42 =	vmul.f32 v38, v27;
	v12 =	vadd.f32 v16, v12  }
0xe0: {  	v45 =	vld [tilespmem:$0x1500];
	v8 =	vadd.f32 v61, v9;
	v9 =	vmul.f32 v19, v53;
	v19 =	vmul.f32 v41, v30  }
0xe1: {  	v49 =	vld [tilespmem:$0x1580];
	v47 =	vmul.f32 v43, v22;
	v10 =	vadd.f32 v42, v10;
	v48 =	vadd.f32 $-1.999999990e-06, v35  }
0xe2: {  	v50 =	vld [tilespmem:$0x1510];
	v18 =	vmul.f32 v46, v34;
	v51 =	vadd.f32 $-1.999999990e-06, v39;
	v12 =	vadd.f32 v19, v12  }
0xe3: {  	v10 =	vadd.f32 v47, v10;
	v52 =	vmul.f32 v48, v35;
	v54 =	vld [tilespmem:$0x1590];
	v53 =	vadd.f32 $-1.999999990e-06, v40  }
0xe4: {  	v55 =	vld [tilespmem:$0x1520];
	v56 =	vadd.f32 $-1.999999990e-06, v44;
	v20 =	vmul.f32 v51, v39;
	v12 =	vadd.f32 v18, v12  }
0xe5: {  	v59 =	vld [tilespmem:$0x15A0];
	v58 =	vadd.f32 $-1.999999990e-06, v45;
	v10 =	vadd.f32 v52, v10;
	v57 =	vmul.f32 v53, v40  }
0xe6: {  	v60 =	vld [tilespmem:$0x1530];
	v17 =	vmul.f32 v56, v44;
	v61 =	vadd.f32 $-1.999999990e-06, v49;
	v12 =	vadd.f32 v20, v12  }
0xe7: {  	v63 =	vadd.f32 $-1.999999990e-06, v50;
	v24 =	vld [tilespmem:$0x15B0];
	v62 =	vmul.f32 v58, v45;
	v10 =	vadd.f32 v57, v10  }
0xe8: {  	v25 =	vld [tilespmem:$0x1540];
	v26 =	vadd.f32 $-1.999999990e-06, v54;
	v21 =	vmul.f32 v61, v49;
	v12 =	vadd.f32 v17, v12  }
0xe9: {  	v29 =	vld [tilespmem:$0x15C0];
	v28 =	vadd.f32 $-1.999999990e-06, v55;
	v27 =	vmul.f32 v63, v50;
	v10 =	vadd.f32 v62, v10  }
0xea: {  	v31 =	vadd.f32 $-1.999999990e-06, v59;
	v30 =	vld [tilespmem:$0x1550];
	v15 =	vmul.f32 v26, v54;
	v12 =	vadd.f32 v21, v12  }
0xeb: {  	v34 =	vld [tilespmem:$0x15D0];
	v32 =	vmul.f32 v28, v55;
	v33 =	vadd.f32 $-1.999999990e-06, v60;
	v10 =	vadd.f32 v27, v10  }
0xec: {  	v14 =	vmul.f32 v31, v59;
	v36 =	vadd.f32 $-1.999999990e-06, v24;
	v35 =	vld [tilespmem:$0x1560];
	v12 =	vadd.f32 v15, v12  }
0xed: {  	v37 =	vmul.f32 v33, v60;
	v38 =	vadd.f32 $-1.999999990e-06, v25;
	v39 =	vld [tilespmem:$0x15E0];
	v10 =	vadd.f32 v32, v10  }
0xee: {  	v16 =	vmul.f32 v36, v24;
	v41 =	vadd.f32 $-1.999999990e-06, v29;
	v40 =	vld [tilespmem:$0x1570];
	v12 =	vadd.f32 v14, v12  }
0xef: {  	v44 =	vld [tilespmem:$0x15F0];
	v42 =	vmul.f32 v38, v25;
	v43 =	vadd.f32 $-1.999999990e-06, v30;
	v10 =	vadd.f32 v37, v10  }
0xf0: {  	v46 =	vadd.f32 $-1.999999990e-06, v34;
	v45 =	vld [tilespmem:$0x1900];
	v19 =	vmul.f32 v41, v29;
	v12 =	vadd.f32 v16, v12  }
0xf1: {  	v48 =	vadd.f32 $-1.999999990e-06, v35;
	v49 =	vld [tilespmem:$0x1980];
	v47 =	vmul.f32 v43, v30;
	v10 =	vadd.f32 v42, v10  }
0xf2: {  	v50 =	vld [tilespmem:$0x1910];
	v51 =	vadd.f32 $-1.999999990e-06, v39;
	v18 =	vmul.f32 v46, v34;
	v12 =	vadd.f32 v19, v12  }
0xf3: {  	v52 =	vmul.f32 v48, v35;
	v54 =	vld [tilespmem:$0x1990];
	v53 =	vadd.f32 $-1.999999990e-06, v40;
	v10 =	vadd.f32 v47, v10  }
0xf4: {  	v55 =	vld [tilespmem:$0x1920];
	v56 =	vadd.f32 $-1.999999990e-06, v44;
	v20 =	vmul.f32 v51, v39;
	v12 =	vadd.f32 v18, v12  }
0xf5: {  	v59 =	vld [tilespmem:$0x19A0];
	v58 =	vadd.f32 $-1.999999990e-06, v45;
	v57 =	vmul.f32 v53, v40;
	v10 =	vadd.f32 v52, v10  }
0xf6: {  	v60 =	vld [tilespmem:$0x1930];
	v61 =	vadd.f32 $-1.999999990e-06, v49;
	v17 =	vmul.f32 v56, v44;
	v12 =	vadd.f32 v20, v12  }
0xf7: {  	v24 =	vld [tilespmem:$0x19B0];
	v63 =	vadd.f32 $-1.999999990e-06, v50;
	v62 =	vmul.f32 v58, v45;
	v10 =	vadd.f32 v57, v10  }
0xf8: {  	v25 =	vld [tilespmem:$0x1940];
	v26 =	vadd.f32 $-1.999999990e-06, v54;
	v21 =	vmul.f32 v61, v49;
	v12 =	vadd.f32 v17, v12  }
0xf9: {  	v28 =	vadd.f32 $-1.999999990e-06, v55;
	v29 =	vld [tilespmem:$0x19C0];
	v27 =	vmul.f32 v63, v50;
	v10 =	vadd.f32 v62, v10  }
0xfa: {  	v31 =	vadd.f32 $-1.999999990e-06, v59;
	v30 =	vld [tilespmem:$0x1950];
	v15 =	vmul.f32 v26, v54;
	v12 =	vadd.f32 v21, v12  }
0xfb: {  	v33 =	vadd.f32 $-1.999999990e-06, v60;
	v34 =	vld [tilespmem:$0x19D0];
	v32 =	vmul.f32 v28, v55;
	v10 =	vadd.f32 v27, v10  }
0xfc: {  	v36 =	vadd.f32 $-1.999999990e-06, v24;
	v35 =	vld [tilespmem:$0x1960];
	v14 =	vmul.f32 v31, v59;
	v12 =	vadd.f32 v15, v12  }
0xfd: {  	v38 =	vadd.f32 $-1.999999990e-06, v25;
	v39 =	vld [tilespmem:$0x19E0];
	v37 =	vmul.f32 v33, v60;
	v10 =	vadd.f32 v32, v10  }
0xfe: {  	v41 =	vadd.f32 $-1.999999990e-06, v29;
	v40 =	vld [tilespmem:$0x1970];
	v16 =	vmul.f32 v36, v24;
	v12 =	vadd.f32 v14, v12  }
0xff: {  	v44 =	vld [tilespmem:$0x19F0];
	v43 =	vadd.f32 $-1.999999990e-06, v30;
	v42 =	vmul.f32 v38, v25;
	v10 =	vadd.f32 v37, v10  }
0x100: {  	v45 =	vld [tilespmem:$0x1D00];
	v46 =	vadd.f32 $-1.999999990e-06, v34;
	v19 =	vmul.f32 v41, v29;
	v12 =	vadd.f32 v16, v12  }
0x101: {  	v48 =	vadd.f32 $-1.999999990e-06, v35;
	v49 =	vld [tilespmem:$0x1D80];
	v47 =	vmul.f32 v43, v30;
	v10 =	vadd.f32 v42, v10  }
0x102: {  	v50 =	vld [tilespmem:$0x1D10];
	v51 =	vadd.f32 $-1.999999990e-06, v39;
	v18 =	vmul.f32 v46, v34;
	v12 =	vadd.f32 v19, v12  }
0x103: {  	v54 =	vld [tilespmem:$0x1D90];
	v53 =	vadd.f32 $-1.999999990e-06, v40;
	v52 =	vmul.f32 v48, v35;
	v10 =	vadd.f32 v47, v10  }
0x104: {  	v55 =	vld [tilespmem:$0x1D20];
	v56 =	vadd.f32 $-1.999999990e-06, v44;
	v20 =	vmul.f32 v51, v39;
	v12 =	vadd.f32 v18, v12  }
0x105: {  	v58 =	vadd.f32 $-1.999999990e-06, v45;
	v59 =	vld [tilespmem:$0x1DA0];
	v57 =	vmul.f32 v53, v40;
	v10 =	vadd.f32 v52, v10  }
0x106: {  	v60 =	vld [tilespmem:$0x1D30];
	v61 =	vadd.f32 $-1.999999990e-06, v49;
	v17 =	vmul.f32 v56, v44;
	v12 =	vadd.f32 v20, v12  }
0x107: {  	v63 =	vadd.f32 $-1.999999990e-06, v50;
	v24 =	vld [tilespmem:$0x1DB0];
	v62 =	vmul.f32 v58, v45;
	v10 =	vadd.f32 v57, v10  }
0x108: {  	v25 =	vld [tilespmem:$0x1D40];
	v26 =	vadd.f32 $-1.999999990e-06, v54;
	v21 =	vmul.f32 v61, v49;
	v12 =	vadd.f32 v17, v12  }
0x109: {  	v28 =	vadd.f32 $-1.999999990e-06, v55;
	v29 =	vld [tilespmem:$0x1DC0];
	v27 =	vmul.f32 v63, v50;
	v10 =	vadd.f32 v62, v10  }
0x10a: {  	v30 =	vld [tilespmem:$0x1D50];
	v31 =	vadd.f32 $-1.999999990e-06, v59;
	v15 =	vmul.f32 v26, v54;
	v12 =	vadd.f32 v21, v12  }
0x10b: {  	v33 =	vadd.f32 $-1.999999990e-06, v60;
	v34 =	vld [tilespmem:$0x1DD0];
	v32 =	vmul.f32 v28, v55;
	v10 =	vadd.f32 v27, v10  }
0x10c: {  	v35 =	vld [tilespmem:$0x1D60];
	v36 =	vadd.f32 $-1.999999990e-06, v24;
	v14 =	vmul.f32 v31, v59;
	v12 =	vadd.f32 v15, v12  }
0x10d: {  	v38 =	vadd.f32 $-1.999999990e-06, v25;
	v39 =	vld [tilespmem:$0x1DE0];
	v37 =	vmul.f32 v33, v60;
	v10 =	vadd.f32 v32, v10  }
0x10e: {  	v40 =	vld [tilespmem:$0x1D70];
	v41 =	vadd.f32 $-1.999999990e-06, v29;
	v16 =	vmul.f32 v36, v24;
	v12 =	vadd.f32 v14, v12  }
0x10f: {  	v43 =	vadd.f32 $-1.999999990e-06, v30;
	v44 =	vld [tilespmem:$0x1DF0];
	v42 =	vmul.f32 v38, v25;
	v10 =	vadd.f32 v37, v10  }
0x110: {  	v45 =	vmul.f32 v41, v29;
	v46 =	vadd.f32 $-1.999999990e-06, v34;
	v12 =	vadd.f32 v16, v12  }
0x111: {  	v48 =	vadd.f32 $-1.999999990e-06, v35;
	v47 =	vmul.f32 v43, v30;
	v10 =	vadd.f32 v42, v10  }
0x112: {  	v49 =	vmul.f32 v46, v34;
	v50 =	vadd.f32 $-1.999999990e-06, v39;
	v12 =	vadd.f32 v45, v12  }
0x113: {  	v51 =	vmul.f32 v48, v35;
	v52 =	vadd.f32 $-1.999999990e-06, v40;
	v10 =	vadd.f32 v47, v10  }
0x114: {  	v53 =	vmul.f32 v50, v39;
	v54 =	vadd.f32 $-1.999999990e-06, v44;
	v12 =	vadd.f32 v49, v12  }
0x115: {  	v7 =	vcvt.s32.f32 v7;
	v55 =	vmul.f32 v52, v40;
	v10 =	vadd.f32 v51, v10  }
0x116: {  	v8 =	vadd.f32 v9, v8;
	v57 =	vmul.f32 v54, v44;
	v56 =	vadd.f32 v53, v12  }
0x117: {  	(xrf2) =	vadd.scan.msk.f32 $0xffff, v7;
	v58 =	vadd.f32 v55, v10  }
0x118: {  	(xrf2) =	vadd.scan.msk.f32 $0xffff, v8;
	v59 =	vadd.f32 v57, v56  }
0x119: {  	(xrf2) =	vadd.scan.msk.f32 $0xffff, v58  }
0x11a: {  	(xrf2) =	vadd.scan.msk.f32 $0xffff, v59;
	_ =	sdelay $0x6  }
0x11b: {  	v60, _, _ =	vpop (xrf2)  }
0x11c: {  	v61, _, _ =	vpop (xrf2)  }
0x11d: {  	v62, _, _ =	vpop (xrf2)  }
0x11e: {  	v63, _, _ =	vpop (xrf2)  }
0x11f: {  	v10 =	vbroadcast v63, $0xF  }
0x120: {  	v9 =	vbroadcast v62, $0xF  }
0x121: {  	[tilespmem:$0x2090] =	vst v3;
	v8 =	vbroadcast v61, $0xF;
	v10 =	vnsel vm4, $0x0, v10  }
0x122: {  	v6 =	vbroadcast v6, $0xF;
	[tilespmem:$0x20A0] =	vst v3;
	v9 =	vsel vm5, v10, v9  }
0x123: {  	[tilespmem:$0x20B0] =	vst v3;
	v7 =	vbroadcast v60, $0xF;
	v8 =	vsel vm6, v9, v8  }
0x124: {  	v5 =	vbroadcast v5, $0xF;
	[tilespmem:$0x20C0] =	vst v3;
	v6 =	vsel vm7, v8, v6  }
0x125: {  	[tilespmem:$0x20D0] =	vst v3;
	v6 =	vsel vm8, v6, v7  }
0x126: {  	[tilespmem:$0x20E0] =	vst v3;
	v5 =	vsel vm9, v6, v5  }
0x127: {  	[tilespmem:$0x20F0] =	vst v3;
	v4 =	vsel vm10, v5, v4  }
0x128: {  	[tilespmem:$0x2080] =	vst v4  }
0x129: {  	[hbm4b:s9+s4] =	stream.linear.scatter [tilespmem:s26], [sflag:$0x3], $0x80, $0x38;
	[tilespmem:$0x2100] =	vst v63  }
0x12a: {  	_ =	swait.ge [sflag:s11], $0x80  }
0x12b: {  	[sflag:s11] =	ssyncset.done $0x0  }
0x12c: {  	[sflag:s11] =	ssyncadd.s32 $0xFFFFFF80  }
0x12d: {  	_ =	swait.ge [sflag:s28], $0x200  }
0x12e: {  	[sflag:s28] =	ssyncset.done $0x0  }
0x12f: {  	s29 =	sadd.s32 $0x1, s29;
	[sflag:s28] =	ssyncadd.s32 $0xFFFFFE00  }
0x130: {  	p0 =	sne.s32 s29, s10;
	_ =	swait.ge [sflag:s28], $0x200  }
.Ltmp1:
0x131: {  	[sflag:s28] =	ssyncset.done $0x0;
	(pc) =	sbr.rel @p0 .LBB2_1-.Ltmp1, $4  }
0x132: {  	[sflag:s28] =	ssyncadd.s32 $0xFFFFFE00  }
0x133: {  	_ =	swait.ge [sflag:s28], $0x200  }
0x134: {  	[sflag:s28] =	ssyncset.done $0x0  }
0x135: {  	[sflag:s28] =	ssyncadd.s32 $0xFFFFFE00  }
0x136: {  	_ =	sfence.sel $0x180000  }
0x137: {  	[bflag:$0x0] =	sbarrier.arrive $0xFFFF  }
0x138: {  	_ =	strace $0x90000047  }
0x139: {  	s0 =	stileid.u32;
	[bflag:$0x2] =	sbarrier.arrive $0xFFFF  }
0x13a: {  	p0 =	sne.s32 s0, $0x0;
	s0 =	rddreg [dreg:$0x3]  }
0x13b: {  	s0 =	sadd.s32 @!p0 $0x100000, s0  }
0x13c: {  	[sflag:s0] =	ssyncadd.tile.s32 @!p0 $0x1;
	_ =	shalt  }
.Lfunc_end2:
_tile_overlayer_lowered:
.L_overlay_start_2:
0x13d: {  	(tag) =	ssettag $0x2  }
0x13e: {  	s0 =	rddreg [dreg:$0x0];
	s2 =	stileid.u32  }
0x13f: {  	s1 =	rddreg [dreg:$0x1];
	p0 =	sne.s32 s2, $0x0  }
0x140: {  	s3 =	rddreg [dreg:$0x2];
	[bflag:$0x3] =	sbarrier.arrive $0xFFFF;
	s2 =	simm.s32 @!p0 $0x1C03  }
0x141: {  	[timem:s3], [sflag:s2] =	dma.local @!p0 [hbm:s0], s1  }
0x142: {  	s0 =	simm.s32 @!p0 $0x3  }
0x143: {  	_ =	swait.ge @!p0 [sflag:s0], s1  }
0x144: {  	s1 =	ssub.s32 @!p0 $0x0, s1;
	[sflag:s0] =	ssyncset.done @!p0 $0x0  }
0x145: {  	[sflag:s0] =	ssyncadd.s32 @!p0 s1  }
0x146: {  	[bflag:$0x3] =	sbarrier.arrive $0xFFFF  }
0x147: {  	_ =	shalt  }

</sc_bundles>
